<compile_context>
chip_gen: v7x
topology: tpu7x:2x2x1
jax: 0.10.2.dev20260603
libtpu: 0.0.44.dev20260713+nightly
codegen_flags: <defaults>
</compile_context>

<pallas_src>
import functools

import jax
import jax.numpy as jnp
import numpy as np
from jax import lax
from jax.experimental import pallas as pl
from jax.experimental.pallas import tpu as pltpu, tpu_sc as plsc

B = 4
N = 50000
F = 101
NVOX = 144
OVF = 144
SENT = 255
MAXP = 20
NV = 160
FP = 112
TPB = 8
P = N // TPB
NGRP = (P + 15) // 16
GT = 391
NT = 50
KCAP = 3072

_MESH = plsc.VectorSubcoreMesh(core_axis_name="c", subcore_axis_name="s")
_CP = pltpu.CompilerParams(use_tc_tiling_on_sc=False, needs_layout_passes=False)


def _select_body(xyzt_hbm, kg_hbm, kv_hbm, sc_hbm, on_hbm,
                 xb, yb, zb, wbuf, hist, starts, scalev, npbuf, allh,
                 kg, kvid, hists_sh):
    c = lax.axis_index("c")
    s = lax.axis_index("s")
    b = c * 2 + s // TPB
    t = s % TPB
    g0 = s - t
    chunk_start = t * P
    st_al = (chunk_start // 8) * 8
    delta = chunk_start - st_al

    iota = lax.iota(jnp.int32, 16)
    ones = jnp.ones((16,), jnp.int32)
    zeros16 = jnp.zeros((16,), jnp.int32)

    @pl.loop(0, NV // 16)
    def _zh(k):
        hist[pl.ds(k * 16, 16)] = zeros16

    @pl.loop(0, KCAP // 16)
    def _zk(k):
        kvid[pl.ds(k * 16, 16)] = lax.full((16,), SENT, jnp.int32)

    pltpu.sync_copy(xyzt_hbm.at[b, 0, pl.ds(st_al, P + 14)], xb)
    pltpu.sync_copy(xyzt_hbm.at[b, 1, pl.ds(st_al, P + 14)], yb)
    pltpu.sync_copy(xyzt_hbm.at[b, 2, pl.ds(st_al, P + 14)], zb)

    @pl.loop(0, NGRP)
    def _p1(i):
        pvec = i * 16 + iota
        x = xb[pl.ds(i * 16 + delta, 16)]
        y = yb[pl.ds(i * 16 + delta, 16)]
        z = zb[pl.ds(i * 16 + delta, 16)]
        valid = ((x >= -1.0) & (x < 3.0) & (y >= -1.0) & (y < 5.0)
                 & (z >= -1.0) & (z < 5.0) & (pvec < P))
        vcx = (x + 1.0).astype(jnp.int32)
        vcy = (y + 1.0).astype(jnp.int32)
        vcz = (z + 1.0).astype(jnp.int32)
        vid = jnp.where(valid, vcx * 36 + vcy * 6 + vcz, OVF)
        base = plsc.load_gather(hist, [vid])
        cnt, _ = plsc.scan_count(vid)
        plsc.addupdate_scatter(hist, [vid], ones)
        rank = jnp.minimum(base + cnt - 1, 31)
        wbuf[pl.ds(i * 16, 16)] = jnp.bitwise_or(
            vid, lax.shift_left(rank, 8))

    pltpu.sync_copy(hist, hists_sh.at[s])
    plsc.subcore_barrier()
    pltpu.sync_copy(hists_sh.at[pl.ds(g0, TPB)], allh)

    @pl.loop(0, NV // 16)
    def _p2(k):
        st = zeros16
        tot = zeros16
        for j in range(TPB):
            h = allh[j, pl.ds(k * 16, 16)]
            mask = lax.full((16,), (j < t).astype(jnp.int32), jnp.int32)
            st = st + h * mask
            tot = tot + h
        starts[pl.ds(k * 16, 16)] = st
        npv = jnp.minimum(tot, MAXP)
        npbuf[pl.ds(k * 16, 16)] = npv
        nf = jnp.maximum(npv, 1).astype(jnp.float32)
        scalev[pl.ds(k * 16, 16)] = float(MAXP) / (nf * nf)

    def _p2b(i, m):
        w = wbuf[pl.ds(i * 16, 16)]
        vid = jnp.bitwise_and(w, 255)
        rank = lax.shift_right_logical(w, 8)
        stv = plsc.load_gather(starts, [vid])
        keep = (vid != OVF) & (stv + rank < MAXP)
        gloc = chunk_start + i * 16 + iota
        plsc.store_compressed(kg.at[pl.ds(m, 16)], gloc, mask=keep)
        plsc.store_compressed(kvid.at[pl.ds(m, 16)], vid, mask=keep)
        return m + jnp.sum(keep.astype(jnp.int32))

    m = lax.fori_loop(0, NGRP, _p2b, jnp.int32(0))

    kg[pl.ds(m, 16)] = lax.full((16,), chunk_start, jnp.int32)
    kvid[pl.ds(m, 16)] = jnp.where(
        iota < (((m + 15) // 16) * 16 - m),
        lax.full((16,), NV - 1, jnp.int32), lax.full((16,), SENT, jnp.int32))

    pltpu.sync_copy(kg, kg_hbm.at[b, t])
    pltpu.sync_copy(kvid, kv_hbm.at[b, t])

    @pl.when(t == 0)
    def _aux():
        pltpu.sync_copy(npbuf, on_hbm.at[b])
        pltpu.sync_copy(scalev, sc_hbm.at[b])


def _accum_body(pcv_hbm, kg_hbm, kv_hbm, sc_hbm, om_hbm,
                pbufa, pbufb, kg, kvid, pgt, pgl, scalev,
                acc, redbuf, outbuf, accs_sh, sema, semb):
    c = lax.axis_index("c")
    s = lax.axis_index("s")
    b = c * 2 + s // TPB
    t = s % TPB
    g0 = s - t
    chunk_start = t * P
    t0 = chunk_start // 128

    iota = lax.iota(jnp.int32, 16)

    @pl.loop(0, NV)
    def _za(v):
        for k in range(FP // 16):
            acc[v, pl.ds(k * 16, 16)] = jnp.zeros((16,), jnp.float32)

    pltpu.sync_copy(kg_hbm.at[b, t], kg)
    pltpu.sync_copy(kv_hbm.at[b, t], kvid)
    pltpu.sync_copy(sc_hbm.at[b], scalev)

    def _scan_cond(carry):
        i, go = carry
        return go

    def _scan_step(carry):
        i, _ = carry
        v = kvid[pl.ds(i * 16, 16)]
        nsent = jnp.sum((v == SENT).astype(jnp.int32))
        return (i + 1, (nsent == 0) & (i + 1 < KCAP // 16))

    nkv0 = lax.while_loop(_scan_cond, _scan_step, (jnp.int32(0), True))[0]
    v0 = kvid[pl.ds((nkv0 - 1) * 16, 16)]
    nkv = nkv0 - (jnp.sum((v0 == SENT).astype(jnp.int32)) > 0).astype(jnp.int32)

    def _prep(i, _):
        g = kg[pl.ds(i * 16, 16)]
        pgt[pl.ds(i * 16, 16)] = lax.shift_right_logical(g, 7) - t0
        pgl[pl.ds(i * 16, 16)] = jnp.bitwise_and(g, 127)
        return 0

    lax.fori_loop(0, nkv, _prep, 0)

    def _issue(f, buf, sem):
        pltpu.make_async_copy(
            pcv_hbm.at[f, pl.ds(t0, NT), b, :], buf, sem).start()

    def _wait(f, buf, sem):
        pltpu.make_async_copy(
            pcv_hbm.at[f, pl.ds(t0, NT), b, :], buf, sem).wait()

    def _consume(f, buf):
        fsplat = lax.full((16,), f, jnp.int32)

        def _acc1(i, _):
            sl = pl.ds(i * 16, 16)
            val = plsc.load_gather(buf, [pgt[sl], pgl[sl]])
            plsc.addupdate_scatter(acc, [kvid[sl], fsplat], val)
            return 0

        lax.fori_loop(0, nkv, _acc1, 0)

    _issue(0, pbufa, sema)

    @pl.loop(0, (F - 1) // 2)
    def _planes(q):
        fa = q * 2
        _wait(fa, pbufa, sema)
        _issue(fa + 1, pbufb, semb)
        _consume(fa, pbufa)
        _wait(fa + 1, pbufb, semb)
        _issue(fa + 2, pbufa, sema)
        _consume(fa + 1, pbufb)

    _wait(F - 1, pbufa, sema)
    _consume(F - 1, pbufa)

    pltpu.sync_copy(acc, accs_sh.at[s])
    plsc.subcore_barrier()
    row0 = t * (NV // TPB)

    @pl.loop(0, NV // TPB)
    def _zo(v):
        for k in range(FP // 16):
            outbuf[v, pl.ds(k * 16, 16)] = jnp.zeros((16,), jnp.float32)

    @pl.loop(0, TPB)
    def _red(j):
        pltpu.sync_copy(accs_sh.at[g0 + j, pl.ds(row0, NV // TPB)], redbuf)

        @pl.loop(0, NV // TPB)
        def _addrows(v):
            for k in range(FP // 16):
                sl = pl.ds(k * 16, 16)
                outbuf[v, sl] = outbuf[v, sl] + redbuf[v, sl]

    @pl.loop(0, NV // TPB)
    def _scale(v):
        sc = plsc.load_gather(scalev, [lax.full((16,), row0 + v, jnp.int32)])
        for k in range(FP // 16):
            sl = pl.ds(k * 16, 16)
            outbuf[v, sl] = outbuf[v, sl] * sc

    pltpu.sync_copy(outbuf, om_hbm.at[b, pl.ds(row0, NV // TPB)])


_select_kernel = functools.partial(
    pl.kernel, _select_body, mesh=_MESH, compiler_params=_CP,
    out_type=(jax.ShapeDtypeStruct((B, TPB, KCAP), jnp.int32),
              jax.ShapeDtypeStruct((B, TPB, KCAP), jnp.int32),
              jax.ShapeDtypeStruct((B, NV), jnp.float32),
              jax.ShapeDtypeStruct((B, NV), jnp.int32)),
    scratch_types=[
        pltpu.VMEM((P + 14,), jnp.float32),
        pltpu.VMEM((P + 14,), jnp.float32),
        pltpu.VMEM((P + 14,), jnp.float32),
        pltpu.VMEM((NGRP * 16,), jnp.int32),
        pltpu.VMEM((NV,), jnp.int32),
        pltpu.VMEM((NV,), jnp.int32),
        pltpu.VMEM((NV,), jnp.float32),
        pltpu.VMEM((NV,), jnp.int32),
        pltpu.VMEM((TPB, NV), jnp.int32),
        pltpu.VMEM((KCAP,), jnp.int32),
        pltpu.VMEM((KCAP,), jnp.int32),
        pltpu.VMEM_SHARED((16, NV), jnp.int32),
    ],
)()

_accum_kernel = functools.partial(
    pl.kernel, _accum_body, mesh=_MESH, compiler_params=_CP,
    out_type=jax.ShapeDtypeStruct((B, NV, FP), jnp.float32),
    scratch_types=[
        pltpu.VMEM((NT, 128), jnp.float32),
        pltpu.VMEM((NT, 128), jnp.float32),
        pltpu.VMEM((KCAP,), jnp.int32),
        pltpu.VMEM((KCAP,), jnp.int32),
        pltpu.VMEM((KCAP,), jnp.int32),
        pltpu.VMEM((KCAP,), jnp.int32),
        pltpu.VMEM((NV,), jnp.float32),
        pltpu.VMEM((NV, FP), jnp.float32),
        pltpu.VMEM((NV // TPB, FP), jnp.float32),
        pltpu.VMEM((NV // TPB, FP), jnp.float32),
        pltpu.VMEM_SHARED((16, NV, FP), jnp.float32),
        pltpu.SemaphoreType.DMA,
        pltpu.SemaphoreType.DMA,
    ],
)()

_lin = np.arange(NVOX)
_COORDS = np.stack([_lin % 6, (_lin // 6) % 6, _lin // 36], axis=1).astype(np.int32)


def kernel(point_cloud_features):
    pc = point_cloud_features
    xyzt = jnp.pad(jnp.transpose(pc[:, :, :3], (0, 2, 1)),
                   ((0, 0), (0, 0), (0, 16)))
    pcp = jnp.pad(pc, ((0, 0), (0, GT * 128 - N), (0, 0)))
    pcv = jnp.transpose(pcp.reshape(B, GT, 128, F), (3, 1, 0, 2))
    kg, kv, sc, out_np = _select_kernel(xyzt)
    out_mean = _accum_kernel(pcv, kg, kv, sc)
    points_mean = out_mean[:, :NVOX, :F]
    num_points = out_np[:, :NVOX]
    coords = jnp.broadcast_to(jnp.asarray(_COORDS), (B, NVOX, 3))
    return points_mean, coords, num_points

# --- scband reference (transcript-rebuilt; emitter-appended) ---
"""Pipeline reference for scband-voxel-encoder-51187420234527 (READ-ONLY COPY).

The authoritative reference and input builder live on the scoring server;
editing this copy changes nothing except your own understanding.
"""

import jax, jax.numpy as jnp
import numpy as np

VSIZE = jnp.array([1.0, 1.0, 1.0])
RMIN = jnp.array([-1.0, -1.0, -1.0])
RMAX = jnp.array([3.0, 5.0, 5.0])
GMAX = jnp.array([3, 5, 5])
NVOX = 144  # 4*6*6 possible voxels (< max_num_voxels=500)
MAXP = 20   # max_num_points_per_voxel


def _voxelize_encode(pc):
    # pc: [N, 101]; first 3 columns are xyz
    N, F = pc.shape
    xyz = pc[:, :3]
    valid = jnp.all((xyz >= RMIN) & (xyz < RMAX), axis=1)
    vc = jnp.clip(jnp.floor((xyz - RMIN) / VSIZE).astype(jnp.int32), 0, GMAX)
    vid = vc[:, 0] * 36 + vc[:, 1] * 6 + vc[:, 2]
    vid = jnp.where(valid, vid, NVOX)  # invalid points -> overflow bucket
    # within-voxel rank (first-come-first-kept, deterministic via stable sort)
    order = jnp.argsort(vid)  # stable
    svid = vid[order]
    seg_start = jnp.searchsorted(svid, svid, side='left')
    rank_sorted = (jnp.arange(N) - seg_start).astype(jnp.int32)
    rank = jnp.zeros(N, jnp.int32).at[order].set(rank_sorted)
    counts = jnp.bincount(vid, length=NVOX + 1)[:NVOX]
    num_points = jnp.minimum(counts, MAXP)
    keep = valid & (rank < MAXP)
    sv = jnp.where(keep, vid, NVOX)
    sp = jnp.where(keep, rank, 0)
    vals = jnp.where(keep[:, None], pc, 0.0)
    voxels = jnp.zeros((NVOX + 1, MAXP, F), pc.dtype).at[sv, sp].add(vals)[:NVOX]
    # empty_mean=True: fill unused slots with per-voxel mean
    n_f = jnp.clip(num_points, 1).astype(pc.dtype)[:, None]
    mean = voxels.sum(axis=1) / n_f
    slot_filled = jnp.arange(MAXP)[None, :] < num_points[:, None]
    voxels = jnp.where(slot_filled[:, :, None], voxels, mean[:, None, :])
    # encode_voxels: sum over slots / clamp_min(num_points, 1)
    points_mean = voxels.sum(axis=1) / n_f
    lin = jnp.arange(NVOX)
    gx = lin // 36
    gy = (lin // 6) % 6
    gz = lin % 6
    coords = jnp.stack([gz, gy, gx], axis=1).astype(jnp.int32)
    return points_mean, coords, num_points


def setup_inputs(seed: int = 0) -> dict:
    key = jax.random.key(seed)
    pc = jax.random.normal(key, (4, 50000, 101), dtype=jnp.float32)
    return {"point_cloud_features": pc}


def reference(point_cloud_features):
    points_mean, coords, num_points = jax.vmap(_voxelize_encode)(point_cloud_features)
    # corresponds to (all_voxels, all_coords, all_num_points), stacked over batch
    return points_mean, coords, num_points

if __name__ == "__main__":
    import jax
    _d = setup_inputs()
    print(jax.jit(kernel)(*tuple(_d.values())))

</pallas_src>

<mosaic_0001>
#map = affine_map<(d0, d1) -> (0, 0, 0)>
#map1 = affine_map<(d0, d1) -> (0, 0)>
module attributes {stable_mosaic.version = 14 : i64} {
  func.func @_select_body(%arg0: i32, %arg1: i32, %arg2: memref<4x3x50016xf32, #tpu.memory_space<hbm>>, %arg3: memref<4x8x3072xi32, #tpu.memory_space<hbm>>, %arg4: memref<4x8x3072xi32, #tpu.memory_space<hbm>>, %arg5: memref<4x160xf32, #tpu.memory_space<hbm>>, %arg6: memref<4x160xi32, #tpu.memory_space<hbm>>, %arg7: memref<6264xf32, #tpu.memory_space<vmem>>, %arg8: memref<6264xf32, #tpu.memory_space<vmem>>, %arg9: memref<6264xf32, #tpu.memory_space<vmem>>, %arg10: memref<6256xi32, #tpu.memory_space<vmem>>, %arg11: memref<160xi32, #tpu.memory_space<vmem>>, %arg12: memref<160xi32, #tpu.memory_space<vmem>>, %arg13: memref<160xf32, #tpu.memory_space<vmem>>, %arg14: memref<160xi32, #tpu.memory_space<vmem>>, %arg15: memref<8x160xi32, #tpu.memory_space<vmem>>, %arg16: memref<3072xi32, #tpu.memory_space<vmem>>, %arg17: memref<3072xi32, #tpu.memory_space<vmem>>, %arg18: memref<16x160xi32, #tpu.memory_space<vmem_shared>>) attributes {dimension_semantics = [#tpu.dimension_semantics<core_parallel>, #tpu.dimension_semantics<subcore_parallel>], iteration_bounds = array<i64: 2, 16>, scalar_prefetch = 0 : i64, scratch_operands = 12 : i64, tpu.core_type = #tpu.core_type<sc_vector_subcore>, window_params = [{transform_indices = #map}, {transform_indices = #map}, {transform_indices = #map}, {transform_indices = #map1}, {transform_indices = #map1}]} {
    %mul3A = arith.constant 2 : i32
    %mul3A_0 = arith.muli %arg0, %mul3A : i32
    %jit3A = arith.constant 8 : i32
    %div3A = arith.divsi %arg1, %jit3A : i32
    %sign3A = arith.constant 0 : i32
    %sign3A_1 = arith.cmpi sgt, %arg1, %sign3A : i32
    %sign3A_2 = arith.extui %sign3A_1 : i1 to i32
    %sign3A_3 = arith.constant 0 : i32
    %sign3A_4 = arith.cmpi slt, %arg1, %sign3A_3 : i32
    %sign3A_5 = arith.extui %sign3A_4 : i1 to i32
    %sign3A_6 = arith.subi %sign3A_2, %sign3A_5 : i32
    %sign3A_7 = arith.constant 0 : i32
    %sign3A_8 = arith.cmpi sgt, %jit3A, %sign3A_7 : i32
    %sign3A_9 = arith.extui %sign3A_8 : i1 to i32
    %sign3A_10 = arith.constant 0 : i32
    %sign3A_11 = arith.cmpi slt, %jit3A, %sign3A_10 : i32
    %sign3A_12 = arith.extui %sign3A_11 : i1 to i32
    %sign3A_13 = arith.subi %sign3A_9, %sign3A_12 : i32
    %ne3A = arith.cmpi ne, %sign3A_6, %sign3A_13 : i32
    %rem3A = arith.remsi %arg1, %jit3A : i32
    %ne3A_14 = arith.constant 0 : i32
    %ne3A_15 = arith.cmpi ne, %rem3A, %ne3A_14 : i32
    %and3A = arith.andi %ne3A, %ne3A_15 : i1
    %sub3A = arith.constant 1 : i32
    %sub3A_16 = arith.subi %div3A, %sub3A : i32
    %select_n3A = arith.select %and3A, %sub3A_16, %div3A : i32
    %add3A = arith.addi %mul3A_0, %select_n3A : i32
    %jit3A_17 = arith.constant 8 : i32
    %eq3A = arith.constant 0 : i32
    %eq3A_18 = arith.cmpi eq, %jit3A_17, %eq3A : i32
    %jit3A_19 = arith.constant 1 : i32
    %select_n3A_20 = arith.select %eq3A_18, %jit3A_19, %jit3A_17 : i32
    %rem3A_21 = arith.remsi %arg1, %select_n3A_20 : i32
    %ne3A_22 = arith.constant 0 : i32
    %ne3A_23 = arith.cmpi ne, %rem3A_21, %ne3A_22 : i32
    %lt3A = arith.constant 0 : i32
    %lt3A_24 = arith.cmpi slt, %rem3A_21, %lt3A : i32
    %lt3A_25 = arith.constant 0 : i32
    %lt3A_26 = arith.cmpi slt, %select_n3A_20, %lt3A_25 : i32
    %ne3A_27 = arith.xori %lt3A_24, %lt3A_26 : i1
    %and3A_28 = arith.andi %ne3A_27, %ne3A_23 : i1
    %add3A_29 = arith.addi %rem3A_21, %select_n3A_20 : i32
    %select_n3A_30 = arith.select %and3A_28, %add3A_29, %rem3A_21 : i32
    %sub3A_31 = arith.subi %arg1, %select_n3A_30 : i32
    %mul3A_32 = arith.constant 6250 : i32
    %mul3A_33 = arith.muli %select_n3A_30, %mul3A_32 : i32
    %jit3A_34 = arith.constant 8 : i32
    %div3A_35 = arith.divsi %mul3A_33, %jit3A_34 : i32
    %sign3A_36 = arith.constant 0 : i32
    %sign3A_37 = arith.cmpi sgt, %mul3A_33, %sign3A_36 : i32
    %sign3A_38 = arith.extui %sign3A_37 : i1 to i32
    %sign3A_39 = arith.constant 0 : i32
    %sign3A_40 = arith.cmpi slt, %mul3A_33, %sign3A_39 : i32
    %sign3A_41 = arith.extui %sign3A_40 : i1 to i32
    %sign3A_42 = arith.subi %sign3A_38, %sign3A_41 : i32
    %sign3A_43 = arith.constant 0 : i32
    %sign3A_44 = arith.cmpi sgt, %jit3A_34, %sign3A_43 : i32
    %sign3A_45 = arith.extui %sign3A_44 : i1 to i32
    %sign3A_46 = arith.constant 0 : i32
    %sign3A_47 = arith.cmpi slt, %jit3A_34, %sign3A_46 : i32
    %sign3A_48 = arith.extui %sign3A_47 : i1 to i32
    %sign3A_49 = arith.subi %sign3A_45, %sign3A_48 : i32
    %ne3A_50 = arith.cmpi ne, %sign3A_42, %sign3A_49 : i32
    %rem3A_51 = arith.remsi %mul3A_33, %jit3A_34 : i32
    %ne3A_52 = arith.constant 0 : i32
    %ne3A_53 = arith.cmpi ne, %rem3A_51, %ne3A_52 : i32
    %and3A_54 = arith.andi %ne3A_50, %ne3A_53 : i1
    %sub3A_55 = arith.constant 1 : i32
    %sub3A_56 = arith.subi %div3A_35, %sub3A_55 : i32
    %select_n3A_57 = arith.select %and3A_54, %sub3A_56, %div3A_35 : i32
    %mul3A_58 = arith.constant 8 : i32
    %mul3A_59 = arith.muli %select_n3A_57, %mul3A_58 : i32
    %sub3A_60 = arith.subi %mul3A_33, %mul3A_59 : i32
    %iota3A = tpu.iota {dimensions = array<i32: 0>} : vector<16xi32>
    %broadcast_in_dim3A = arith.constant 1 : i32
    %broadcast_in_dim3A_61 = vector.broadcast %broadcast_in_dim3A : i32 to vector<16xi32>
    %broadcast_in_dim3A_62 = arith.constant 0 : i32
    %broadcast_in_dim3A_63 = vector.broadcast %broadcast_in_dim3A_62 : i32 to vector<16xi32>
    %scan3A = arith.constant 0 : i32
    %scan3A_64 = arith.constant 10 : i32
    %scan3A_65 = arith.addi %scan3A, %scan3A_64 : i32
    %scan3A_66 = arith.constant 1 : i32
    scf.for %scan3A_135 = %scan3A to %scan3A_65 step %scan3A_66  : i32 {
      %mul3A_136 = arith.constant 1 : i32
      %mul3A_137 = arith.muli %scan3A_135, %mul3A_136 : i32
      %add3A_138 = arith.constant 0 : i32
      %add3A_139 = arith.addi %add3A_138, %mul3A_137 : i32
      %mul3A_140 = arith.constant 16 : i32
      %mul3A_141 = arith.muli %add3A_139, %mul3A_140 : i32
      %swap3A_142 = arith.index_cast %mul3A_141 : i32 to index
      %swap3A_143 = tpu.vector_load %arg11[%swap3A_142] {strides = array<i32>} : memref<160xi32, #tpu.memory_space<vmem>>, vector<16xi32>,
      tpu.vector_store %arg11[%swap3A_142], %broadcast_in_dim3A_63 {strides = array<i32>} : memref<160xi32, #tpu.memory_space<vmem>>, vector<16xi32>,
    }
    %scan3A_67 = arith.constant 10 : i32
    %scan3A_68 = arith.constant 0 : i32
    %scan3A_69 = arith.constant 192 : i32
    %scan3A_70 = arith.addi %scan3A_68, %scan3A_69 : i32
    %scan3A_71 = arith.constant 1 : i32
    scf.for %scan3A_135 = %scan3A_68 to %scan3A_70 step %scan3A_71  : i32 {
      %mul3A_136 = arith.constant 1 : i32
      %mul3A_137 = arith.muli %scan3A_135, %mul3A_136 : i32
      %add3A_138 = arith.constant 0 : i32
      %add3A_139 = arith.addi %add3A_138, %mul3A_137 : i32
      %broadcast_in_dim3A_140 = arith.constant 255 : i32
      %broadcast_in_dim3A_141 = vector.broadcast %broadcast_in_dim3A_140 : i32 to vector<16xi32>
      %mul3A_142 = arith.constant 16 : i32
      %mul3A_143 = arith.muli %add3A_139, %mul3A_142 : i32
      %swap3A_144 = arith.index_cast %mul3A_143 : i32 to index
      %swap3A_145 = tpu.vector_load %arg17[%swap3A_144] {strides = array<i32>} : memref<3072xi32, #tpu.memory_space<vmem>>, vector<16xi32>,
      tpu.vector_store %arg17[%swap3A_144], %broadcast_in_dim3A_141 {strides = array<i32>} : memref<3072xi32, #tpu.memory_space<vmem>>, vector<16xi32>,
    }
    %scan3A_72 = arith.constant 192 : i32
    %run_scoped3A = arith.constant 0 : i32
    "tpu.region"() ({
      %run_scoped3A_135 = tpu.sem_alloc : memref<!tpu.dma_semaphore, #tpu.memory_space<semaphore_mem>>
      %dma_start3A = tpu.memref_slice %arg2[%add3A, %run_scoped3A, %mul3A_59] : memref<4x3x50016xf32, #tpu.memory_space<hbm>> -> memref<1x1x6264xf32, #tpu.memory_space<hbm>>
      %dma_start3A_136 = tpu.memref_squeeze %dma_start3A : memref<1x1x6264xf32, #tpu.memory_space<hbm>> -> memref<6264xf32, #tpu.memory_space<hbm>>
      %dma_start3A_137 = tpu.memref_slice %arg2[%add3A, %run_scoped3A, %mul3A_59] : memref<4x3x50016xf32, #tpu.memory_space<hbm>> -> memref<1x1x6264xf32, #tpu.memory_space<hbm>>
      %dma_start3A_138 = tpu.memref_squeeze %dma_start3A_137 : memref<1x1x6264xf32, #tpu.memory_space<hbm>> -> memref<6264xf32, #tpu.memory_space<hbm>>
      tpu.enqueue_dma source(%dma_start3A_138 : memref<6264xf32, #tpu.memory_space<hbm>>) target(%arg7 : memref<6264xf32, #tpu.memory_space<vmem>>) target_semaphore(%run_scoped3A_135 : memref<!tpu.dma_semaphore, #tpu.memory_space<semaphore_mem>>)
      %dma_wait3A = tpu.memref_slice %arg2[%add3A, %run_scoped3A, %mul3A_59] : memref<4x3x50016xf32, #tpu.memory_space<hbm>> -> memref<1x1x6264xf32, #tpu.memory_space<hbm>>
      %dma_wait3A_139 = tpu.memref_squeeze %dma_wait3A : memref<1x1x6264xf32, #tpu.memory_space<hbm>> -> memref<6264xf32, #tpu.memory_space<hbm>>
      %dma_wait3A_140 = tpu.memref_slice %arg2[%add3A, %run_scoped3A, %mul3A_59] : memref<4x3x50016xf32, #tpu.memory_space<hbm>> -> memref<1x1x6264xf32, #tpu.memory_space<hbm>>
      %dma_wait3A_141 = tpu.memref_squeeze %dma_wait3A_140 : memref<1x1x6264xf32, #tpu.memory_space<hbm>> -> memref<6264xf32, #tpu.memory_space<hbm>>
      tpu.wait_dma2 semaphore(%run_scoped3A_135 : memref<!tpu.dma_semaphore, #tpu.memory_space<semaphore_mem>>) src(%dma_wait3A_141 : memref<6264xf32, #tpu.memory_space<hbm>>) dst(%arg7 : memref<6264xf32, #tpu.memory_space<vmem>>)
      tpu.yield
    }) : () -> ()
    %run_scoped3A_73 = arith.constant 1 : i32
    "tpu.region"() ({
      %run_scoped3A_135 = tpu.sem_alloc : memref<!tpu.dma_semaphore, #tpu.memory_space<semaphore_mem>>
      %dma_start3A = tpu.memref_slice %arg2[%add3A, %run_scoped3A_73, %mul3A_59] : memref<4x3x50016xf32, #tpu.memory_space<hbm>> -> memref<1x1x6264xf32, #tpu.memory_space<hbm>>
      %dma_start3A_136 = tpu.memref_squeeze %dma_start3A : memref<1x1x6264xf32, #tpu.memory_space<hbm>> -> memref<6264xf32, #tpu.memory_space<hbm>>
      %dma_start3A_137 = tpu.memref_slice %arg2[%add3A, %run_scoped3A_73, %mul3A_59] : memref<4x3x50016xf32, #tpu.memory_space<hbm>> -> memref<1x1x6264xf32, #tpu.memory_space<hbm>>
      %dma_start3A_138 = tpu.memref_squeeze %dma_start3A_137 : memref<1x1x6264xf32, #tpu.memory_space<hbm>> -> memref<6264xf32, #tpu.memory_space<hbm>>
      tpu.enqueue_dma source(%dma_start3A_138 : memref<6264xf32, #tpu.memory_space<hbm>>) target(%arg8 : memref<6264xf32, #tpu.memory_space<vmem>>) target_semaphore(%run_scoped3A_135 : memref<!tpu.dma_semaphore, #tpu.memory_space<semaphore_mem>>)
      %dma_wait3A = tpu.memref_slice %arg2[%add3A, %run_scoped3A_73, %mul3A_59] : memref<4x3x50016xf32, #tpu.memory_space<hbm>> -> memref<1x1x6264xf32, #tpu.memory_space<hbm>>
      %dma_wait3A_139 = tpu.memref_squeeze %dma_wait3A : memref<1x1x6264xf32, #tpu.memory_space<hbm>> -> memref<6264xf32, #tpu.memory_space<hbm>>
      %dma_wait3A_140 = tpu.memref_slice %arg2[%add3A, %run_scoped3A_73, %mul3A_59] : memref<4x3x50016xf32, #tpu.memory_space<hbm>> -> memref<1x1x6264xf32, #tpu.memory_space<hbm>>
      %dma_wait3A_141 = tpu.memref_squeeze %dma_wait3A_140 : memref<1x1x6264xf32, #tpu.memory_space<hbm>> -> memref<6264xf32, #tpu.memory_space<hbm>>
      tpu.wait_dma2 semaphore(%run_scoped3A_135 : memref<!tpu.dma_semaphore, #tpu.memory_space<semaphore_mem>>) src(%dma_wait3A_141 : memref<6264xf32, #tpu.memory_space<hbm>>) dst(%arg8 : memref<6264xf32, #tpu.memory_space<vmem>>)
      tpu.yield
    }) : () -> ()
    %run_scoped3A_74 = arith.constant 2 : i32
    "tpu.region"() ({
      %run_scoped3A_135 = tpu.sem_alloc : memref<!tpu.dma_semaphore, #tpu.memory_space<semaphore_mem>>
      %dma_start3A = tpu.memref_slice %arg2[%add3A, %run_scoped3A_74, %mul3A_59] : memref<4x3x50016xf32, #tpu.memory_space<hbm>> -> memref<1x1x6264xf32, #tpu.memory_space<hbm>>
      %dma_start3A_136 = tpu.memref_squeeze %dma_start3A : memref<1x1x6264xf32, #tpu.memory_space<hbm>> -> memref<6264xf32, #tpu.memory_space<hbm>>
      %dma_start3A_137 = tpu.memref_slice %arg2[%add3A, %run_scoped3A_74, %mul3A_59] : memref<4x3x50016xf32, #tpu.memory_space<hbm>> -> memref<1x1x6264xf32, #tpu.memory_space<hbm>>
      %dma_start3A_138 = tpu.memref_squeeze %dma_start3A_137 : memref<1x1x6264xf32, #tpu.memory_space<hbm>> -> memref<6264xf32, #tpu.memory_space<hbm>>
      tpu.enqueue_dma source(%dma_start3A_138 : memref<6264xf32, #tpu.memory_space<hbm>>) target(%arg9 : memref<6264xf32, #tpu.memory_space<vmem>>) target_semaphore(%run_scoped3A_135 : memref<!tpu.dma_semaphore, #tpu.memory_space<semaphore_mem>>)
      %dma_wait3A = tpu.memref_slice %arg2[%add3A, %run_scoped3A_74, %mul3A_59] : memref<4x3x50016xf32, #tpu.memory_space<hbm>> -> memref<1x1x6264xf32, #tpu.memory_space<hbm>>
      %dma_wait3A_139 = tpu.memref_squeeze %dma_wait3A : memref<1x1x6264xf32, #tpu.memory_space<hbm>> -> memref<6264xf32, #tpu.memory_space<hbm>>
      %dma_wait3A_140 = tpu.memref_slice %arg2[%add3A, %run_scoped3A_74, %mul3A_59] : memref<4x3x50016xf32, #tpu.memory_space<hbm>> -> memref<1x1x6264xf32, #tpu.memory_space<hbm>>
      %dma_wait3A_141 = tpu.memref_squeeze %dma_wait3A_140 : memref<1x1x6264xf32, #tpu.memory_space<hbm>> -> memref<6264xf32, #tpu.memory_space<hbm>>
      tpu.wait_dma2 semaphore(%run_scoped3A_135 : memref<!tpu.dma_semaphore, #tpu.memory_space<semaphore_mem>>) src(%dma_wait3A_141 : memref<6264xf32, #tpu.memory_space<hbm>>) dst(%arg9 : memref<6264xf32, #tpu.memory_space<vmem>>)
      tpu.yield
    }) : () -> ()
    %scan3A_75 = arith.constant 0 : i32
    %scan3A_76 = arith.constant 391 : i32
    %scan3A_77 = arith.addi %scan3A_75, %scan3A_76 : i32
    %scan3A_78 = arith.constant 1 : i32
    scf.for %scan3A_135 = %scan3A_75 to %scan3A_77 step %scan3A_78  : i32 {
      %mul3A_136 = arith.constant 1 : i32
      %mul3A_137 = arith.muli %scan3A_135, %mul3A_136 : i32
      %add3A_138 = arith.constant 0 : i32
      %add3A_139 = arith.addi %add3A_138, %mul3A_137 : i32
      %mul3A_140 = arith.constant 16 : i32
      %mul3A_141 = arith.muli %add3A_139, %mul3A_140 : i32
      %add3A_142 = vector.broadcast %mul3A_141 : i32 to vector<16xi32>
      %add3A_143 = arith.addi %add3A_142, %iota3A : vector<16xi32>
      %mul3A_144 = arith.constant 16 : i32
      %mul3A_145 = arith.muli %add3A_139, %mul3A_144 : i32
      %add3A_146 = arith.addi %mul3A_145, %sub3A_60 : i32
      %get3A = arith.index_cast %add3A_146 : i32 to index
      %get3A_147 = tpu.vector_load %arg7[%get3A] {strides = array<i32>} : memref<6264xf32, #tpu.memory_space<vmem>>, vector<16xf32>,
      %mul3A_148 = arith.constant 16 : i32
      %mul3A_149 = arith.muli %add3A_139, %mul3A_148 : i32
      %add3A_150 = arith.addi %mul3A_149, %sub3A_60 : i32
      %get3A_151 = arith.index_cast %add3A_150 : i32 to index
      %get3A_152 = tpu.vector_load %arg8[%get3A_151] {strides = array<i32>} : memref<6264xf32, #tpu.memory_space<vmem>>, vector<16xf32>,
      %mul3A_153 = arith.constant 16 : i32
      %mul3A_154 = arith.muli %add3A_139, %mul3A_153 : i32
      %add3A_155 = arith.addi %mul3A_154, %sub3A_60 : i32
      %get3A_156 = arith.index_cast %add3A_155 : i32 to index
      %get3A_157 = tpu.vector_load %arg9[%get3A_156] {strides = array<i32>} : memref<6264xf32, #tpu.memory_space<vmem>>, vector<16xf32>,
      %ge3A = arith.constant -1.000000e+00 : f32
      %ge3A_158 = vector.broadcast %ge3A : f32 to vector<16xf32>
      %ge3A_159 = arith.cmpf oge, %get3A_147, %ge3A_158 : vector<16xf32>
      %lt3A_160 = arith.constant 3.000000e+00 : f32
      %lt3A_161 = vector.broadcast %lt3A_160 : f32 to vector<16xf32>
      %lt3A_162 = arith.cmpf olt, %get3A_147, %lt3A_161 : vector<16xf32>
      %and3A_163 = arith.andi %ge3A_159, %lt3A_162 : vector<16xi1>
      %ge3A_164 = arith.constant -1.000000e+00 : f32
      %ge3A_165 = vector.broadcast %ge3A_164 : f32 to vector<16xf32>
      %ge3A_166 = arith.cmpf oge, %get3A_152, %ge3A_165 : vector<16xf32>
      %and3A_167 = arith.andi %and3A_163, %ge3A_166 : vector<16xi1>
      %lt3A_168 = arith.constant 5.000000e+00 : f32
      %lt3A_169 = vector.broadcast %lt3A_168 : f32 to vector<16xf32>
      %lt3A_170 = arith.cmpf olt, %get3A_152, %lt3A_169 : vector<16xf32>
      %and3A_171 = arith.andi %and3A_167, %lt3A_170 : vector<16xi1>
      %ge3A_172 = arith.constant -1.000000e+00 : f32
      %ge3A_173 = vector.broadcast %ge3A_172 : f32 to vector<16xf32>
      %ge3A_174 = arith.cmpf oge, %get3A_157, %ge3A_173 : vector<16xf32>
      %and3A_175 = arith.andi %and3A_171, %ge3A_174 : vector<16xi1>
      %lt3A_176 = arith.constant 5.000000e+00 : f32
      %lt3A_177 = vector.broadcast %lt3A_176 : f32 to vector<16xf32>
      %lt3A_178 = arith.cmpf olt, %get3A_157, %lt3A_177 : vector<16xf32>
      %and3A_179 = arith.andi %and3A_175, %lt3A_178 : vector<16xi1>
      %lt3A_180 = arith.constant 6250 : i32
      %lt3A_181 = vector.broadcast %lt3A_180 : i32 to vector<16xi32>
      %lt3A_182 = arith.cmpi slt, %add3A_143, %lt3A_181 : vector<16xi32>
      %and3A_183 = arith.andi %and3A_179, %lt3A_182 : vector<16xi1>
      %add3A_184 = arith.constant 1.000000e+00 : f32
      %add3A_185 = vector.broadcast %add3A_184 : f32 to vector<16xf32>
      %add3A_186 = arith.addf %get3A_147, %add3A_185 : vector<16xf32>
      %convert_element_type3A_187 = arith.fptosi %add3A_186 : vector<16xf32> to vector<16xi32>
      %add3A_188 = arith.constant 1.000000e+00 : f32
      %add3A_189 = vector.broadcast %add3A_188 : f32 to vector<16xf32>
      %add3A_190 = arith.addf %get3A_152, %add3A_189 : vector<16xf32>
      %convert_element_type3A_191 = arith.fptosi %add3A_190 : vector<16xf32> to vector<16xi32>
      %add3A_192 = arith.constant 1.000000e+00 : f32
      %add3A_193 = vector.broadcast %add3A_192 : f32 to vector<16xf32>
      %add3A_194 = arith.addf %get3A_157, %add3A_193 : vector<16xf32>
      %convert_element_type3A_195 = arith.fptosi %add3A_194 : vector<16xf32> to vector<16xi32>
      %mul3A_196 = arith.constant 36 : i32
      %mul3A_197 = vector.broadcast %mul3A_196 : i32 to vector<16xi32>
      %mul3A_198 = arith.muli %convert_element_type3A_187, %mul3A_197 : vector<16xi32>
      %mul3A_199 = arith.constant 6 : i32
      %mul3A_200 = vector.broadcast %mul3A_199 : i32 to vector<16xi32>
      %mul3A_201 = arith.muli %convert_element_type3A_191, %mul3A_200 : vector<16xi32>
      %add3A_202 = arith.addi %mul3A_198, %mul3A_201 : vector<16xi32>
      %add3A_203 = arith.addi %add3A_202, %convert_element_type3A_195 : vector<16xi32>
      %jit3A_204 = arith.constant 144 : i32
      %broadcast_in_dim3A_205 = vector.broadcast %jit3A_204 : i32 to vector<16xi32>
      %select_n3A_206 = arith.select %and3A_183, %add3A_203, %broadcast_in_dim3A_205 : vector<16xi1>, vector<16xi32>
      %gather3A = tpu.vector_load_idx %arg11[%select_n3A_206] : memref<160xi32, #tpu.memory_space<vmem>>[vector<16xi32>], vector<16xi32>,
      %broadcast_in_dim3A_207 = arith.constant true
      %broadcast_in_dim3A_208 = vector.broadcast %broadcast_in_dim3A_207 : i1 to vector<16xi1>
      %unique3A, %unique3A_209 = tpu.scan_count mask(%broadcast_in_dim3A_208 : vector<16xi1>) value(%select_n3A_206 : vector<16xi32>) : vector<16xi1>, vector<16xi32>
      tpu.vector_store_idx %arg11[%select_n3A_206], %broadcast_in_dim3A_61 {add = true} : memref<160xi32, #tpu.memory_space<vmem>>[vector<16xi32>], vector<16xi32>,
      %add3A_210 = arith.addi %gather3A, %unique3A_209 : vector<16xi32>
      %sub3A_211 = arith.constant 1 : i32
      %sub3A_212 = vector.broadcast %sub3A_211 : i32 to vector<16xi32>
      %sub3A_213 = arith.subi %add3A_210, %sub3A_212 : vector<16xi32>
      %min3A = arith.constant 31 : i32
      %min3A_214 = vector.broadcast %min3A : i32 to vector<16xi32>
      %min3A_215 = arith.minsi %sub3A_213, %min3A_214 : vector<16xi32>
      %shift_left3A = arith.constant 8 : i32
      %shift_left3A_216 = vector.broadcast %shift_left3A : i32 to vector<16xi32>
      %shift_left3A_217 = arith.shli %min3A_215, %shift_left3A_216 : vector<16xi32>
      %or3A = arith.ori %select_n3A_206, %shift_left3A_217 : vector<16xi32>
      %mul3A_218 = arith.constant 16 : i32
      %mul3A_219 = arith.muli %add3A_139, %mul3A_218 : i32
      %swap3A_220 = arith.index_cast %mul3A_219 : i32 to index
      %swap3A_221 = tpu.vector_load %arg10[%swap3A_220] {strides = array<i32>} : memref<6256xi32, #tpu.memory_space<vmem>>, vector<16xi32>,
      tpu.vector_store %arg10[%swap3A_220], %or3A {strides = array<i32>} : memref<6256xi32, #tpu.memory_space<vmem>>, vector<16xi32>,
    }
    %scan3A_79 = arith.constant 391 : i32
    "tpu.region"() ({
      %run_scoped3A_135 = tpu.sem_alloc : memref<!tpu.dma_semaphore, #tpu.memory_space<semaphore_mem>>
      %dma_start3A = arith.constant 0 : i32
      %dma_start3A_136 = tpu.memref_slice %arg18[%arg1, %dma_start3A] : memref<16x160xi32, #tpu.memory_space<vmem_shared>> -> memref<1x160xi32, #tpu.memory_space<vmem_shared>>
      %dma_start3A_137 = tpu.memref_squeeze %dma_start3A_136 : memref<1x160xi32, #tpu.memory_space<vmem_shared>> -> memref<160xi32, #tpu.memory_space<vmem_shared>>
      %dma_start3A_138 = arith.constant 0 : i32
      %dma_start3A_139 = tpu.memref_slice %arg18[%arg1, %dma_start3A_138] : memref<16x160xi32, #tpu.memory_space<vmem_shared>> -> memref<1x160xi32, #tpu.memory_space<vmem_shared>>
      %dma_start3A_140 = tpu.memref_squeeze %dma_start3A_139 : memref<1x160xi32, #tpu.memory_space<vmem_shared>> -> memref<160xi32, #tpu.memory_space<vmem_shared>>
      tpu.enqueue_dma source(%arg11 : memref<160xi32, #tpu.memory_space<vmem>>) target(%dma_start3A_140 : memref<160xi32, #tpu.memory_space<vmem_shared>>) target_semaphore(%run_scoped3A_135 : memref<!tpu.dma_semaphore, #tpu.memory_space<semaphore_mem>>)
      %dma_wait3A = arith.constant 0 : i32
      %dma_wait3A_141 = tpu.memref_slice %arg18[%arg1, %dma_wait3A] : memref<16x160xi32, #tpu.memory_space<vmem_shared>> -> memref<1x160xi32, #tpu.memory_space<vmem_shared>>
      %dma_wait3A_142 = tpu.memref_squeeze %dma_wait3A_141 : memref<1x160xi32, #tpu.memory_space<vmem_shared>> -> memref<160xi32, #tpu.memory_space<vmem_shared>>
      %dma_wait3A_143 = arith.constant 0 : i32
      %dma_wait3A_144 = tpu.memref_slice %arg18[%arg1, %dma_wait3A_143] : memref<16x160xi32, #tpu.memory_space<vmem_shared>> -> memref<1x160xi32, #tpu.memory_space<vmem_shared>>
      %dma_wait3A_145 = tpu.memref_squeeze %dma_wait3A_144 : memref<1x160xi32, #tpu.memory_space<vmem_shared>> -> memref<160xi32, #tpu.memory_space<vmem_shared>>
      tpu.wait_dma2 semaphore(%run_scoped3A_135 : memref<!tpu.dma_semaphore, #tpu.memory_space<semaphore_mem>>) src(%arg11 : memref<160xi32, #tpu.memory_space<vmem>>) dst(%dma_wait3A_145 : memref<160xi32, #tpu.memory_space<vmem_shared>>)
      tpu.yield
    }) : () -> ()
    %barrier3A = arith.constant 0 : index
    tpu.barrier barrier_id(%barrier3A)
    "tpu.region"() ({
      %run_scoped3A_135 = tpu.sem_alloc : memref<!tpu.dma_semaphore, #tpu.memory_space<semaphore_mem>>
      %dma_start3A = arith.constant 0 : i32
      %dma_start3A_136 = tpu.memref_slice %arg18[%sub3A_31, %dma_start3A] : memref<16x160xi32, #tpu.memory_space<vmem_shared>> -> memref<8x160xi32, #tpu.memory_space<vmem_shared>>
      %dma_start3A_137 = arith.constant 0 : i32
      %dma_start3A_138 = tpu.memref_slice %arg18[%sub3A_31, %dma_start3A_137] : memref<16x160xi32, #tpu.memory_space<vmem_shared>> -> memref<8x160xi32, #tpu.memory_space<vmem_shared>>
      tpu.enqueue_dma source(%dma_start3A_138 : memref<8x160xi32, #tpu.memory_space<vmem_shared>>) target(%arg15 : memref<8x160xi32, #tpu.memory_space<vmem>>) target_semaphore(%run_scoped3A_135 : memref<!tpu.dma_semaphore, #tpu.memory_space<semaphore_mem>>)
      %dma_wait3A = arith.constant 0 : i32
      %dma_wait3A_139 = tpu.memref_slice %arg18[%sub3A_31, %dma_wait3A] : memref<16x160xi32, #tpu.memory_space<vmem_shared>> -> memref<8x160xi32, #tpu.memory_space<vmem_shared>>
      %dma_wait3A_140 = arith.constant 0 : i32
      %dma_wait3A_141 = tpu.memref_slice %arg18[%sub3A_31, %dma_wait3A_140] : memref<16x160xi32, #tpu.memory_space<vmem_shared>> -> memref<8x160xi32, #tpu.memory_space<vmem_shared>>
      tpu.wait_dma2 semaphore(%run_scoped3A_135 : memref<!tpu.dma_semaphore, #tpu.memory_space<semaphore_mem>>) src(%dma_wait3A_141 : memref<8x160xi32, #tpu.memory_space<vmem_shared>>) dst(%arg15 : memref<8x160xi32, #tpu.memory_space<vmem>>)
      tpu.yield
    }) : () -> ()
    %scan3A_80 = arith.constant 0 : i32
    %scan3A_81 = arith.constant 10 : i32
    %scan3A_82 = arith.addi %scan3A_80, %scan3A_81 : i32
    %scan3A_83 = arith.constant 1 : i32
    scf.for %scan3A_135 = %scan3A_80 to %scan3A_82 step %scan3A_83  : i32 {
      %mul3A_136 = arith.constant 1 : i32
      %mul3A_137 = arith.muli %scan3A_135, %mul3A_136 : i32
      %add3A_138 = arith.constant 0 : i32
      %add3A_139 = arith.addi %add3A_138, %mul3A_137 : i32
      %mul3A_140 = arith.constant 16 : i32
      %mul3A_141 = arith.muli %add3A_139, %mul3A_140 : i32
      %get3A = arith.constant 0 : i32
      %get3A_142 = arith.index_cast %get3A : i32 to index
      %get3A_143 = arith.index_cast %mul3A_141 : i32 to index
      %get3A_144 = tpu.vector_load %arg15[%get3A_142, %get3A_143] {strides = array<i32>} : memref<8x160xi32, #tpu.memory_space<vmem>>, vector<16xi32>,
      %gt3A = arith.constant 0 : i32
      %gt3A_145 = arith.cmpi sgt, %select_n3A_30, %gt3A : i32
      %convert_element_type3A_146 = arith.extui %gt3A_145 : i1 to i32
      %broadcast_in_dim3A_147 = vector.broadcast %convert_element_type3A_146 : i32 to vector<16xi32>
      %mul3A_148 = arith.muli %get3A_144, %broadcast_in_dim3A_147 : vector<16xi32>
      %add3A_149 = arith.addi %broadcast_in_dim3A_63, %mul3A_148 : vector<16xi32>
      %add3A_150 = arith.addi %broadcast_in_dim3A_63, %get3A_144 : vector<16xi32>
      %mul3A_151 = arith.constant 16 : i32
      %mul3A_152 = arith.muli %add3A_139, %mul3A_151 : i32
      %get3A_153 = arith.constant 1 : i32
      %get3A_154 = arith.index_cast %get3A_153 : i32 to index
      %get3A_155 = arith.index_cast %mul3A_152 : i32 to index
      %get3A_156 = tpu.vector_load %arg15[%get3A_154, %get3A_155] {strides = array<i32>} : memref<8x160xi32, #tpu.memory_space<vmem>>, vector<16xi32>,
      %gt3A_157 = arith.constant 1 : i32
      %gt3A_158 = arith.cmpi sgt, %select_n3A_30, %gt3A_157 : i32
      %convert_element_type3A_159 = arith.extui %gt3A_158 : i1 to i32
      %broadcast_in_dim3A_160 = vector.broadcast %convert_element_type3A_159 : i32 to vector<16xi32>
      %mul3A_161 = arith.muli %get3A_156, %broadcast_in_dim3A_160 : vector<16xi32>
      %add3A_162 = arith.addi %add3A_149, %mul3A_161 : vector<16xi32>
      %add3A_163 = arith.addi %add3A_150, %get3A_156 : vector<16xi32>
      %mul3A_164 = arith.constant 16 : i32
      %mul3A_165 = arith.muli %add3A_139, %mul3A_164 : i32
      %get3A_166 = arith.constant 2 : i32
      %get3A_167 = arith.index_cast %get3A_166 : i32 to index
      %get3A_168 = arith.index_cast %mul3A_165 : i32 to index
      %get3A_169 = tpu.vector_load %arg15[%get3A_167, %get3A_168] {strides = array<i32>} : memref<8x160xi32, #tpu.memory_space<vmem>>, vector<16xi32>,
      %gt3A_170 = arith.constant 2 : i32
      %gt3A_171 = arith.cmpi sgt, %select_n3A_30, %gt3A_170 : i32
      %convert_element_type3A_172 = arith.extui %gt3A_171 : i1 to i32
      %broadcast_in_dim3A_173 = vector.broadcast %convert_element_type3A_172 : i32 to vector<16xi32>
      %mul3A_174 = arith.muli %get3A_169, %broadcast_in_dim3A_173 : vector<16xi32>
      %add3A_175 = arith.addi %add3A_162, %mul3A_174 : vector<16xi32>
      %add3A_176 = arith.addi %add3A_163, %get3A_169 : vector<16xi32>
      %mul3A_177 = arith.constant 16 : i32
      %mul3A_178 = arith.muli %add3A_139, %mul3A_177 : i32
      %get3A_179 = arith.constant 3 : i32
      %get3A_180 = arith.index_cast %get3A_179 : i32 to index
      %get3A_181 = arith.index_cast %mul3A_178 : i32 to index
      %get3A_182 = tpu.vector_load %arg15[%get3A_180, %get3A_181] {strides = array<i32>} : memref<8x160xi32, #tpu.memory_space<vmem>>, vector<16xi32>,
      %gt3A_183 = arith.constant 3 : i32
      %gt3A_184 = arith.cmpi sgt, %select_n3A_30, %gt3A_183 : i32
      %convert_element_type3A_185 = arith.extui %gt3A_184 : i1 to i32
      %broadcast_in_dim3A_186 = vector.broadcast %convert_element_type3A_185 : i32 to vector<16xi32>
      %mul3A_187 = arith.muli %get3A_182, %broadcast_in_dim3A_186 : vector<16xi32>
      %add3A_188 = arith.addi %add3A_175, %mul3A_187 : vector<16xi32>
      %add3A_189 = arith.addi %add3A_176, %get3A_182 : vector<16xi32>
      %mul3A_190 = arith.constant 16 : i32
      %mul3A_191 = arith.muli %add3A_139, %mul3A_190 : i32
      %get3A_192 = arith.constant 4 : i32
      %get3A_193 = arith.index_cast %get3A_192 : i32 to index
      %get3A_194 = arith.index_cast %mul3A_191 : i32 to index
      %get3A_195 = tpu.vector_load %arg15[%get3A_193, %get3A_194] {strides = array<i32>} : memref<8x160xi32, #tpu.memory_space<vmem>>, vector<16xi32>,
      %gt3A_196 = arith.constant 4 : i32
      %gt3A_197 = arith.cmpi sgt, %select_n3A_30, %gt3A_196 : i32
      %convert_element_type3A_198 = arith.extui %gt3A_197 : i1 to i32
      %broadcast_in_dim3A_199 = vector.broadcast %convert_element_type3A_198 : i32 to vector<16xi32>
      %mul3A_200 = arith.muli %get3A_195, %broadcast_in_dim3A_199 : vector<16xi32>
      %add3A_201 = arith.addi %add3A_188, %mul3A_200 : vector<16xi32>
      %add3A_202 = arith.addi %add3A_189, %get3A_195 : vector<16xi32>
      %mul3A_203 = arith.constant 16 : i32
      %mul3A_204 = arith.muli %add3A_139, %mul3A_203 : i32
      %get3A_205 = arith.constant 5 : i32
      %get3A_206 = arith.index_cast %get3A_205 : i32 to index
      %get3A_207 = arith.index_cast %mul3A_204 : i32 to index
      %get3A_208 = tpu.vector_load %arg15[%get3A_206, %get3A_207] {strides = array<i32>} : memref<8x160xi32, #tpu.memory_space<vmem>>, vector<16xi32>,
      %gt3A_209 = arith.constant 5 : i32
      %gt3A_210 = arith.cmpi sgt, %select_n3A_30, %gt3A_209 : i32
      %convert_element_type3A_211 = arith.extui %gt3A_210 : i1 to i32
      %broadcast_in_dim3A_212 = vector.broadcast %convert_element_type3A_211 : i32 to vector<16xi32>
      %mul3A_213 = arith.muli %get3A_208, %broadcast_in_dim3A_212 : vector<16xi32>
      %add3A_214 = arith.addi %add3A_201, %mul3A_213 : vector<16xi32>
      %add3A_215 = arith.addi %add3A_202, %get3A_208 : vector<16xi32>
      %mul3A_216 = arith.constant 16 : i32
      %mul3A_217 = arith.muli %add3A_139, %mul3A_216 : i32
      %get3A_218 = arith.constant 6 : i32
      %get3A_219 = arith.index_cast %get3A_218 : i32 to index
      %get3A_220 = arith.index_cast %mul3A_217 : i32 to index
      %get3A_221 = tpu.vector_load %arg15[%get3A_219, %get3A_220] {strides = array<i32>} : memref<8x160xi32, #tpu.memory_space<vmem>>, vector<16xi32>,
      %gt3A_222 = arith.constant 6 : i32
      %gt3A_223 = arith.cmpi sgt, %select_n3A_30, %gt3A_222 : i32
      %convert_element_type3A_224 = arith.extui %gt3A_223 : i1 to i32
      %broadcast_in_dim3A_225 = vector.broadcast %convert_element_type3A_224 : i32 to vector<16xi32>
      %mul3A_226 = arith.muli %get3A_221, %broadcast_in_dim3A_225 : vector<16xi32>
      %add3A_227 = arith.addi %add3A_214, %mul3A_226 : vector<16xi32>
      %add3A_228 = arith.addi %add3A_215, %get3A_221 : vector<16xi32>
      %mul3A_229 = arith.constant 16 : i32
      %mul3A_230 = arith.muli %add3A_139, %mul3A_229 : i32
      %get3A_231 = arith.constant 7 : i32
      %get3A_232 = arith.index_cast %get3A_231 : i32 to index
      %get3A_233 = arith.index_cast %mul3A_230 : i32 to index
      %get3A_234 = tpu.vector_load %arg15[%get3A_232, %get3A_233] {strides = array<i32>} : memref<8x160xi32, #tpu.memory_space<vmem>>, vector<16xi32>,
      %gt3A_235 = arith.constant 7 : i32
      %gt3A_236 = arith.cmpi sgt, %select_n3A_30, %gt3A_235 : i32
      %convert_element_type3A_237 = arith.extui %gt3A_236 : i1 to i32
      %broadcast_in_dim3A_238 = vector.broadcast %convert_element_type3A_237 : i32 to vector<16xi32>
      %mul3A_239 = arith.muli %get3A_234, %broadcast_in_dim3A_238 : vector<16xi32>
      %add3A_240 = arith.addi %add3A_227, %mul3A_239 : vector<16xi32>
      %add3A_241 = arith.addi %add3A_228, %get3A_234 : vector<16xi32>
      %mul3A_242 = arith.constant 16 : i32
      %mul3A_243 = arith.muli %add3A_139, %mul3A_242 : i32
      %swap3A_244 = arith.index_cast %mul3A_243 : i32 to index
      %swap3A_245 = tpu.vector_load %arg12[%swap3A_244] {strides = array<i32>} : memref<160xi32, #tpu.memory_space<vmem>>, vector<16xi32>,
      tpu.vector_store %arg12[%swap3A_244], %add3A_240 {strides = array<i32>} : memref<160xi32, #tpu.memory_space<vmem>>, vector<16xi32>,
      %min3A = arith.constant 20 : i32
      %min3A_246 = vector.broadcast %min3A : i32 to vector<16xi32>
      %min3A_247 = arith.minsi %add3A_241, %min3A_246 : vector<16xi32>
      %mul3A_248 = arith.constant 16 : i32
      %mul3A_249 = arith.muli %add3A_139, %mul3A_248 : i32
      %swap3A_250 = arith.index_cast %mul3A_249 : i32 to index
      %swap3A_251 = tpu.vector_load %arg14[%swap3A_250] {strides = array<i32>} : memref<160xi32, #tpu.memory_space<vmem>>, vector<16xi32>,
      tpu.vector_store %arg14[%swap3A_250], %min3A_247 {strides = array<i32>} : memref<160xi32, #tpu.memory_space<vmem>>, vector<16xi32>,
      %max3A = arith.constant 1 : i32
      %max3A_252 = vector.broadcast %max3A : i32 to vector<16xi32>
      %max3A_253 = arith.maxsi %min3A_247, %max3A_252 : vector<16xi32>
      %convert_element_type3A_254 = arith.sitofp %max3A_253 : vector<16xi32> to vector<16xf32>
      %mul3A_255 = arith.mulf %convert_element_type3A_254, %convert_element_type3A_254 : vector<16xf32>
      %div3A_256 = arith.constant 2.000000e+01 : f32
      %div3A_257 = vector.broadcast %div3A_256 : f32 to vector<16xf32>
      %div3A_258 = arith.divf %div3A_257, %mul3A_255 : vector<16xf32>
      %mul3A_259 = arith.constant 16 : i32
      %mul3A_260 = arith.muli %add3A_139, %mul3A_259 : i32
      %swap3A_261 = arith.index_cast %mul3A_260 : i32 to index
      %swap3A_262 = tpu.vector_load %arg13[%swap3A_261] {strides = array<i32>} : memref<160xf32, #tpu.memory_space<vmem>>, vector<16xf32>,
      tpu.vector_store %arg13[%swap3A_261], %div3A_258 {strides = array<i32>} : memref<160xf32, #tpu.memory_space<vmem>>, vector<16xf32>,
    }
    %scan3A_84 = arith.constant 10 : i32
    %scan3A_85 = arith.constant 0 : i32
    %scan3A_86 = arith.constant 0 : i32
    %scan3A_87 = arith.constant 391 : i32
    %scan3A_88 = arith.addi %scan3A_86, %scan3A_87 : i32
    %scan3A_89 = arith.constant 1 : i32
    %scan3A_90 = scf.for %scan3A_135 = %scan3A_86 to %scan3A_88 step %scan3A_89 iter_args(%scan3A_136 = %scan3A_85) -> (i32)  : i32 {
      %mul3A_137 = arith.constant 16 : i32
      %mul3A_138 = arith.muli %scan3A_135, %mul3A_137 : i32
      %get3A = arith.index_cast %mul3A_138 : i32 to index
      %get3A_139 = tpu.vector_load %arg10[%get3A] {strides = array<i32>} : memref<6256xi32, #tpu.memory_space<vmem>>, vector<16xi32>,
      %and3A_140 = arith.constant 255 : i32
      %and3A_141 = vector.broadcast %and3A_140 : i32 to vector<16xi32>
      %and3A_142 = arith.andi %get3A_139, %and3A_141 : vector<16xi32>
      %shift_right_logical3A = arith.constant 8 : i32
      %shift_right_logical3A_143 = vector.broadcast %shift_right_logical3A : i32 to vector<16xi32>
      %shift_right_logical3A_144 = arith.shrui %get3A_139, %shift_right_logical3A_143 : vector<16xi32>
      %gather3A = tpu.vector_load_idx %arg12[%and3A_142] : memref<160xi32, #tpu.memory_space<vmem>>[vector<16xi32>], vector<16xi32>,
      %ne3A_145 = arith.constant 144 : i32
      %ne3A_146 = vector.broadcast %ne3A_145 : i32 to vector<16xi32>
      %ne3A_147 = arith.cmpi ne, %and3A_142, %ne3A_146 : vector<16xi32>
      %add3A_148 = arith.addi %gather3A, %shift_right_logical3A_144 : vector<16xi32>
      %lt3A_149 = arith.constant 20 : i32
      %lt3A_150 = vector.broadcast %lt3A_149 : i32 to vector<16xi32>
      %lt3A_151 = arith.cmpi slt, %add3A_148, %lt3A_150 : vector<16xi32>
      %and3A_152 = arith.andi %ne3A_147, %lt3A_151 : vector<16xi1>
      %mul3A_153 = arith.constant 16 : i32
      %mul3A_154 = arith.muli %scan3A_135, %mul3A_153 : i32
      %add3A_155 = arith.addi %mul3A_33, %mul3A_154 : i32
      %add3A_156 = vector.broadcast %add3A_155 : i32 to vector<16xi32>
      %add3A_157 = arith.addi %add3A_156, %iota3A : vector<16xi32>
      %swap3A_158 = arith.index_cast %scan3A_136 : i32 to index
      %swap3A_159 = tpu.vector_load %arg16[%swap3A_158] masked %and3A_152 {strides = array<i32>} : memref<3072xi32, #tpu.memory_space<vmem>>, vector<16xi32>, vector<16xi1>
      tpu.vector_store %arg16[%swap3A_158], %add3A_157 masked %and3A_152 {strides = array<i32>} : memref<3072xi32, #tpu.memory_space<vmem>>, vector<16xi32>, vector<16xi1>
      %swap3A_160 = arith.index_cast %scan3A_136 : i32 to index
      %swap3A_161 = tpu.vector_load %arg17[%swap3A_160] masked %and3A_152 {strides = array<i32>} : memref<3072xi32, #tpu.memory_space<vmem>>, vector<16xi32>, vector<16xi1>
      tpu.vector_store %arg17[%swap3A_160], %and3A_142 masked %and3A_152 {strides = array<i32>} : memref<3072xi32, #tpu.memory_space<vmem>>, vector<16xi32>, vector<16xi1>
      %convert_element_type3A_162 = arith.extui %and3A_152 : vector<16xi1> to vector<16xi32>
      %reduce_sum3A = arith.constant true
      %reduce_sum3A_163 = vector.broadcast %reduce_sum3A : i1 to vector<16xi1>
      %reduce_sum3A_164 = tpu.scan <sum>, %convert_element_type3A_162 masked %reduce_sum3A_163 : vector<16xi32>, vector<16xi1> -> vector<16xi32>
      %reduce_sum3A_165 = vector.extract %reduce_sum3A_164[15] : i32 from vector<16xi32>
      %add3A_166 = arith.addi %scan3A_136, %reduce_sum3A_165 : i32
      scf.yield %add3A_166 : i32
    }
    %scan3A_91 = arith.constant 391 : i32
    %broadcast_in_dim3A_92 = vector.broadcast %mul3A_33 : i32 to vector<16xi32>
    %swap3A = arith.index_cast %scan3A_90 : i32 to index
    %swap3A_93 = tpu.vector_load %arg16[%swap3A] {strides = array<i32>} : memref<3072xi32, #tpu.memory_space<vmem>>, vector<16xi32>,
    tpu.vector_store %arg16[%swap3A], %broadcast_in_dim3A_92 {strides = array<i32>} : memref<3072xi32, #tpu.memory_space<vmem>>, vector<16xi32>,
    %add3A_94 = arith.constant 15 : i32
    %add3A_95 = arith.addi %scan3A_90, %add3A_94 : i32
    %jit3A_96 = arith.constant 16 : i32
    %div3A_97 = arith.divsi %add3A_95, %jit3A_96 : i32
    %sign3A_98 = arith.constant 0 : i32
    %sign3A_99 = arith.cmpi sgt, %add3A_95, %sign3A_98 : i32
    %sign3A_100 = arith.extui %sign3A_99 : i1 to i32
    %sign3A_101 = arith.constant 0 : i32
    %sign3A_102 = arith.cmpi slt, %add3A_95, %sign3A_101 : i32
    %sign3A_103 = arith.extui %sign3A_102 : i1 to i32
    %sign3A_104 = arith.subi %sign3A_100, %sign3A_103 : i32
    %sign3A_105 = arith.constant 0 : i32
    %sign3A_106 = arith.cmpi sgt, %jit3A_96, %sign3A_105 : i32
    %sign3A_107 = arith.extui %sign3A_106 : i1 to i32
    %sign3A_108 = arith.constant 0 : i32
    %sign3A_109 = arith.cmpi slt, %jit3A_96, %sign3A_108 : i32
    %sign3A_110 = arith.extui %sign3A_109 : i1 to i32
    %sign3A_111 = arith.subi %sign3A_107, %sign3A_110 : i32
    %ne3A_112 = arith.cmpi ne, %sign3A_104, %sign3A_111 : i32
    %rem3A_113 = arith.remsi %add3A_95, %jit3A_96 : i32
    %ne3A_114 = arith.constant 0 : i32
    %ne3A_115 = arith.cmpi ne, %rem3A_113, %ne3A_114 : i32
    %and3A_116 = arith.andi %ne3A_112, %ne3A_115 : i1
    %sub3A_117 = arith.constant 1 : i32
    %sub3A_118 = arith.subi %div3A_97, %sub3A_117 : i32
    %select_n3A_119 = arith.select %and3A_116, %sub3A_118, %div3A_97 : i32
    %mul3A_120 = arith.constant 16 : i32
    %mul3A_121 = arith.muli %select_n3A_119, %mul3A_120 : i32
    %sub3A_122 = arith.subi %mul3A_121, %scan3A_90 : i32
    %lt3A_123 = vector.broadcast %sub3A_122 : i32 to vector<16xi32>
    %lt3A_124 = arith.cmpi slt, %iota3A, %lt3A_123 : vector<16xi32>
    %broadcast_in_dim3A_125 = arith.constant 159 : i32
    %broadcast_in_dim3A_126 = vector.broadcast %broadcast_in_dim3A_125 : i32 to vector<16xi32>
    %broadcast_in_dim3A_127 = arith.constant 255 : i32
    %broadcast_in_dim3A_128 = vector.broadcast %broadcast_in_dim3A_127 : i32 to vector<16xi32>
    %select_n3A_129 = arith.select %lt3A_124, %broadcast_in_dim3A_126, %broadcast_in_dim3A_128 : vector<16xi1>, vector<16xi32>
    %swap3A_130 = arith.index_cast %scan3A_90 : i32 to index
    %swap3A_131 = tpu.vector_load %arg17[%swap3A_130] {strides = array<i32>} : memref<3072xi32, #tpu.memory_space<vmem>>, vector<16xi32>,
    tpu.vector_store %arg17[%swap3A_130], %select_n3A_129 {strides = array<i32>} : memref<3072xi32, #tpu.memory_space<vmem>>, vector<16xi32>,
    "tpu.region"() ({
      %run_scoped3A_135 = tpu.sem_alloc : memref<!tpu.dma_semaphore, #tpu.memory_space<semaphore_mem>>
      %dma_start3A = arith.constant 0 : i32
      %dma_start3A_136 = tpu.memref_slice %arg3[%add3A, %select_n3A_30, %dma_start3A] : memref<4x8x3072xi32, #tpu.memory_space<hbm>> -> memref<1x1x3072xi32, #tpu.memory_space<hbm>>
      %dma_start3A_137 = tpu.memref_squeeze %dma_start3A_136 : memref<1x1x3072xi32, #tpu.memory_space<hbm>> -> memref<3072xi32, #tpu.memory_space<hbm>>
      %dma_start3A_138 = arith.constant 0 : i32
      %dma_start3A_139 = tpu.memref_slice %arg3[%add3A, %select_n3A_30, %dma_start3A_138] : memref<4x8x3072xi32, #tpu.memory_space<hbm>> -> memref<1x1x3072xi32, #tpu.memory_space<hbm>>
      %dma_start3A_140 = tpu.memref_squeeze %dma_start3A_139 : memref<1x1x3072xi32, #tpu.memory_space<hbm>> -> memref<3072xi32, #tpu.memory_space<hbm>>
      tpu.enqueue_dma source(%arg16 : memref<3072xi32, #tpu.memory_space<vmem>>) target(%dma_start3A_140 : memref<3072xi32, #tpu.memory_space<hbm>>) target_semaphore(%run_scoped3A_135 : memref<!tpu.dma_semaphore, #tpu.memory_space<semaphore_mem>>)
      %dma_wait3A = arith.constant 0 : i32
      %dma_wait3A_141 = tpu.memref_slice %arg3[%add3A, %select_n3A_30, %dma_wait3A] : memref<4x8x3072xi32, #tpu.memory_space<hbm>> -> memref<1x1x3072xi32, #tpu.memory_space<hbm>>
      %dma_wait3A_142 = tpu.memref_squeeze %dma_wait3A_141 : memref<1x1x3072xi32, #tpu.memory_space<hbm>> -> memref<3072xi32, #tpu.memory_space<hbm>>
      %dma_wait3A_143 = arith.constant 0 : i32
      %dma_wait3A_144 = tpu.memref_slice %arg3[%add3A, %select_n3A_30, %dma_wait3A_143] : memref<4x8x3072xi32, #tpu.memory_space<hbm>> -> memref<1x1x3072xi32, #tpu.memory_space<hbm>>
      %dma_wait3A_145 = tpu.memref_squeeze %dma_wait3A_144 : memref<1x1x3072xi32, #tpu.memory_space<hbm>> -> memref<3072xi32, #tpu.memory_space<hbm>>
      tpu.wait_dma2 semaphore(%run_scoped3A_135 : memref<!tpu.dma_semaphore, #tpu.memory_space<semaphore_mem>>) src(%arg16 : memref<3072xi32, #tpu.memory_space<vmem>>) dst(%dma_wait3A_145 : memref<3072xi32, #tpu.memory_space<hbm>>)
      tpu.yield
    }) : () -> ()
    "tpu.region"() ({
      %run_scoped3A_135 = tpu.sem_alloc : memref<!tpu.dma_semaphore, #tpu.memory_space<semaphore_mem>>
      %dma_start3A = arith.constant 0 : i32
      %dma_start3A_136 = tpu.memref_slice %arg4[%add3A, %select_n3A_30, %dma_start3A] : memref<4x8x3072xi32, #tpu.memory_space<hbm>> -> memref<1x1x3072xi32, #tpu.memory_space<hbm>>
      %dma_start3A_137 = tpu.memref_squeeze %dma_start3A_136 : memref<1x1x3072xi32, #tpu.memory_space<hbm>> -> memref<3072xi32, #tpu.memory_space<hbm>>
      %dma_start3A_138 = arith.constant 0 : i32
      %dma_start3A_139 = tpu.memref_slice %arg4[%add3A, %select_n3A_30, %dma_start3A_138] : memref<4x8x3072xi32, #tpu.memory_space<hbm>> -> memref<1x1x3072xi32, #tpu.memory_space<hbm>>
      %dma_start3A_140 = tpu.memref_squeeze %dma_start3A_139 : memref<1x1x3072xi32, #tpu.memory_space<hbm>> -> memref<3072xi32, #tpu.memory_space<hbm>>
      tpu.enqueue_dma source(%arg17 : memref<3072xi32, #tpu.memory_space<vmem>>) target(%dma_start3A_140 : memref<3072xi32, #tpu.memory_space<hbm>>) target_semaphore(%run_scoped3A_135 : memref<!tpu.dma_semaphore, #tpu.memory_space<semaphore_mem>>)
      %dma_wait3A = arith.constant 0 : i32
      %dma_wait3A_141 = tpu.memref_slice %arg4[%add3A, %select_n3A_30, %dma_wait3A] : memref<4x8x3072xi32, #tpu.memory_space<hbm>> -> memref<1x1x3072xi32, #tpu.memory_space<hbm>>
      %dma_wait3A_142 = tpu.memref_squeeze %dma_wait3A_141 : memref<1x1x3072xi32, #tpu.memory_space<hbm>> -> memref<3072xi32, #tpu.memory_space<hbm>>
      %dma_wait3A_143 = arith.constant 0 : i32
      %dma_wait3A_144 = tpu.memref_slice %arg4[%add3A, %select_n3A_30, %dma_wait3A_143] : memref<4x8x3072xi32, #tpu.memory_space<hbm>> -> memref<1x1x3072xi32, #tpu.memory_space<hbm>>
      %dma_wait3A_145 = tpu.memref_squeeze %dma_wait3A_144 : memref<1x1x3072xi32, #tpu.memory_space<hbm>> -> memref<3072xi32, #tpu.memory_space<hbm>>
      tpu.wait_dma2 semaphore(%run_scoped3A_135 : memref<!tpu.dma_semaphore, #tpu.memory_space<semaphore_mem>>) src(%arg17 : memref<3072xi32, #tpu.memory_space<vmem>>) dst(%dma_wait3A_145 : memref<3072xi32, #tpu.memory_space<hbm>>)
      tpu.yield
    }) : () -> ()
    %eq3A_132 = arith.constant 0 : i32
    %eq3A_133 = arith.cmpi eq, %select_n3A_30, %eq3A_132 : i32
    %convert_element_type3A = arith.extui %eq3A_133 : i1 to i32
    %cond3A = arith.constant 0 : i32
    %cond3A_134 = arith.cmpi ne, %convert_element_type3A, %cond3A : i32
    scf.if %cond3A_134 {
      "tpu.region"() ({
        %run_scoped3A_135 = tpu.sem_alloc : memref<!tpu.dma_semaphore, #tpu.memory_space<semaphore_mem>>
        %dma_start3A = arith.constant 0 : i32
        %dma_start3A_136 = tpu.memref_slice %arg6[%add3A, %dma_start3A] : memref<4x160xi32, #tpu.memory_space<hbm>> -> memref<1x160xi32, #tpu.memory_space<hbm>>
        %dma_start3A_137 = tpu.memref_squeeze %dma_start3A_136 : memref<1x160xi32, #tpu.memory_space<hbm>> -> memref<160xi32, #tpu.memory_space<hbm>>
        %dma_start3A_138 = arith.constant 0 : i32
        %dma_start3A_139 = tpu.memref_slice %arg6[%add3A, %dma_start3A_138] : memref<4x160xi32, #tpu.memory_space<hbm>> -> memref<1x160xi32, #tpu.memory_space<hbm>>
        %dma_start3A_140 = tpu.memref_squeeze %dma_start3A_139 : memref<1x160xi32, #tpu.memory_space<hbm>> -> memref<160xi32, #tpu.memory_space<hbm>>
        tpu.enqueue_dma source(%arg14 : memref<160xi32, #tpu.memory_space<vmem>>) target(%dma_start3A_140 : memref<160xi32, #tpu.memory_space<hbm>>) target_semaphore(%run_scoped3A_135 : memref<!tpu.dma_semaphore, #tpu.memory_space<semaphore_mem>>)
        %dma_wait3A = arith.constant 0 : i32
        %dma_wait3A_141 = tpu.memref_slice %arg6[%add3A, %dma_wait3A] : memref<4x160xi32, #tpu.memory_space<hbm>> -> memref<1x160xi32, #tpu.memory_space<hbm>>
        %dma_wait3A_142 = tpu.memref_squeeze %dma_wait3A_141 : memref<1x160xi32, #tpu.memory_space<hbm>> -> memref<160xi32, #tpu.memory_space<hbm>>
        %dma_wait3A_143 = arith.constant 0 : i32
        %dma_wait3A_144 = tpu.memref_slice %arg6[%add3A, %dma_wait3A_143] : memref<4x160xi32, #tpu.memory_space<hbm>> -> memref<1x160xi32, #tpu.memory_space<hbm>>
        %dma_wait3A_145 = tpu.memref_squeeze %dma_wait3A_144 : memref<1x160xi32, #tpu.memory_space<hbm>> -> memref<160xi32, #tpu.memory_space<hbm>>
        tpu.wait_dma2 semaphore(%run_scoped3A_135 : memref<!tpu.dma_semaphore, #tpu.memory_space<semaphore_mem>>) src(%arg14 : memref<160xi32, #tpu.memory_space<vmem>>) dst(%dma_wait3A_145 : memref<160xi32, #tpu.memory_space<hbm>>)
        tpu.yield
      }) : () -> ()
      "tpu.region"() ({
        %run_scoped3A_135 = tpu.sem_alloc : memref<!tpu.dma_semaphore, #tpu.memory_space<semaphore_mem>>
        %dma_start3A = arith.constant 0 : i32
        %dma_start3A_136 = tpu.memref_slice %arg5[%add3A, %dma_start3A] : memref<4x160xf32, #tpu.memory_space<hbm>> -> memref<1x160xf32, #tpu.memory_space<hbm>>
        %dma_start3A_137 = tpu.memref_squeeze %dma_start3A_136 : memref<1x160xf32, #tpu.memory_space<hbm>> -> memref<160xf32, #tpu.memory_space<hbm>>
        %dma_start3A_138 = arith.constant 0 : i32
        %dma_start3A_139 = tpu.memref_slice %arg5[%add3A, %dma_start3A_138] : memref<4x160xf32, #tpu.memory_space<hbm>> -> memref<1x160xf32, #tpu.memory_space<hbm>>
        %dma_start3A_140 = tpu.memref_squeeze %dma_start3A_139 : memref<1x160xf32, #tpu.memory_space<hbm>> -> memref<160xf32, #tpu.memory_space<hbm>>
        tpu.enqueue_dma source(%arg13 : memref<160xf32, #tpu.memory_space<vmem>>) target(%dma_start3A_140 : memref<160xf32, #tpu.memory_space<hbm>>) target_semaphore(%run_scoped3A_135 : memref<!tpu.dma_semaphore, #tpu.memory_space<semaphore_mem>>)
        %dma_wait3A = arith.constant 0 : i32
        %dma_wait3A_141 = tpu.memref_slice %arg5[%add3A, %dma_wait3A] : memref<4x160xf32, #tpu.memory_space<hbm>> -> memref<1x160xf32, #tpu.memory_space<hbm>>
        %dma_wait3A_142 = tpu.memref_squeeze %dma_wait3A_141 : memref<1x160xf32, #tpu.memory_space<hbm>> -> memref<160xf32, #tpu.memory_space<hbm>>
        %dma_wait3A_143 = arith.constant 0 : i32
        %dma_wait3A_144 = tpu.memref_slice %arg5[%add3A, %dma_wait3A_143] : memref<4x160xf32, #tpu.memory_space<hbm>> -> memref<1x160xf32, #tpu.memory_space<hbm>>
        %dma_wait3A_145 = tpu.memref_squeeze %dma_wait3A_144 : memref<1x160xf32, #tpu.memory_space<hbm>> -> memref<160xf32, #tpu.memory_space<hbm>>
        tpu.wait_dma2 semaphore(%run_scoped3A_135 : memref<!tpu.dma_semaphore, #tpu.memory_space<semaphore_mem>>) src(%arg13 : memref<160xf32, #tpu.memory_space<vmem>>) dst(%dma_wait3A_145 : memref<160xf32, #tpu.memory_space<hbm>>)
        tpu.yield
      }) : () -> ()
    } else {
    }
    return
  }
}

#map = affine_map<(d0, d1) -> (0, 0, 0, 0)>
#map1 = affine_map<(d0, d1) -> (0, 0, 0)>
#map2 = affine_map<(d0, d1) -> (0, 0)>
module attributes {stable_mosaic.version = 14 : i64} {
  func.func @_accum_body(%arg0: i32, %arg1: i32, %arg2: memref<101x391x4x128xf32, #tpu.memory_space<hbm>>, %arg3: memref<4x8x3072xi32, #tpu.memory_space<hbm>>, %arg4: memref<4x8x3072xi32, #tpu.memory_space<hbm>>, %arg5: memref<4x160xf32, #tpu.memory_space<hbm>>, %arg6: memref<4x160x112xf32, #tpu.memory_space<hbm>>, %arg7: memref<50x128xf32, #tpu.memory_space<vmem>>, %arg8: memref<50x128xf32, #tpu.memory_space<vmem>>, %arg9: memref<3072xi32, #tpu.memory_space<vmem>>, %arg10: memref<3072xi32, #tpu.memory_space<vmem>>, %arg11: memref<3072xi32, #tpu.memory_space<vmem>>, %arg12: memref<3072xi32, #tpu.memory_space<vmem>>, %arg13: memref<160xf32, #tpu.memory_space<vmem>>, %arg14: memref<160x112xf32, #tpu.memory_space<vmem>>, %arg15: memref<20x112xf32, #tpu.memory_space<vmem>>, %arg16: memref<20x112xf32, #tpu.memory_space<vmem>>, %arg17: memref<16x160x112xf32, #tpu.memory_space<vmem_shared>>, %arg18: memref<!tpu.dma_semaphore, #tpu.memory_space<semaphore_mem>>, %arg19: memref<!tpu.dma_semaphore, #tpu.memory_space<semaphore_mem>>) attributes {dimension_semantics = [#tpu.dimension_semantics<core_parallel>, #tpu.dimension_semantics<subcore_parallel>], iteration_bounds = array<i64: 2, 16>, scalar_prefetch = 0 : i64, scratch_operands = 13 : i64, tpu.core_type = #tpu.core_type<sc_vector_subcore>, window_params = [{transform_indices = #map}, {transform_indices = #map1}, {transform_indices = #map1}, {transform_indices = #map2}, {transform_indices = #map1}]} {
    %mul3A = arith.constant 2 : i32
    %mul3A_0 = arith.muli %arg0, %mul3A : i32
    %jit3A = arith.constant 8 : i32
    %div3A = arith.divsi %arg1, %jit3A : i32
    %sign3A = arith.constant 0 : i32
    %sign3A_1 = arith.cmpi sgt, %arg1, %sign3A : i32
    %sign3A_2 = arith.extui %sign3A_1 : i1 to i32
    %sign3A_3 = arith.constant 0 : i32
    %sign3A_4 = arith.cmpi slt, %arg1, %sign3A_3 : i32
    %sign3A_5 = arith.extui %sign3A_4 : i1 to i32
    %sign3A_6 = arith.subi %sign3A_2, %sign3A_5 : i32
    %sign3A_7 = arith.constant 0 : i32
    %sign3A_8 = arith.cmpi sgt, %jit3A, %sign3A_7 : i32
    %sign3A_9 = arith.extui %sign3A_8 : i1 to i32
    %sign3A_10 = arith.constant 0 : i32
    %sign3A_11 = arith.cmpi slt, %jit3A, %sign3A_10 : i32
    %sign3A_12 = arith.extui %sign3A_11 : i1 to i32
    %sign3A_13 = arith.subi %sign3A_9, %sign3A_12 : i32
    %ne3A = arith.cmpi ne, %sign3A_6, %sign3A_13 : i32
    %rem3A = arith.remsi %arg1, %jit3A : i32
    %ne3A_14 = arith.constant 0 : i32
    %ne3A_15 = arith.cmpi ne, %rem3A, %ne3A_14 : i32
    %and3A = arith.andi %ne3A, %ne3A_15 : i1
    %sub3A = arith.constant 1 : i32
    %sub3A_16 = arith.subi %div3A, %sub3A : i32
    %select_n3A = arith.select %and3A, %sub3A_16, %div3A : i32
    %add3A = arith.addi %mul3A_0, %select_n3A : i32
    %jit3A_17 = arith.constant 8 : i32
    %eq3A = arith.constant 0 : i32
    %eq3A_18 = arith.cmpi eq, %jit3A_17, %eq3A : i32
    %jit3A_19 = arith.constant 1 : i32
    %select_n3A_20 = arith.select %eq3A_18, %jit3A_19, %jit3A_17 : i32
    %rem3A_21 = arith.remsi %arg1, %select_n3A_20 : i32
    %ne3A_22 = arith.constant 0 : i32
    %ne3A_23 = arith.cmpi ne, %rem3A_21, %ne3A_22 : i32
    %lt3A = arith.constant 0 : i32
    %lt3A_24 = arith.cmpi slt, %rem3A_21, %lt3A : i32
    %lt3A_25 = arith.constant 0 : i32
    %lt3A_26 = arith.cmpi slt, %select_n3A_20, %lt3A_25 : i32
    %ne3A_27 = arith.xori %lt3A_24, %lt3A_26 : i1
    %and3A_28 = arith.andi %ne3A_27, %ne3A_23 : i1
    %add3A_29 = arith.addi %rem3A_21, %select_n3A_20 : i32
    %select_n3A_30 = arith.select %and3A_28, %add3A_29, %rem3A_21 : i32
    %sub3A_31 = arith.subi %arg1, %select_n3A_30 : i32
    %mul3A_32 = arith.constant 6250 : i32
    %mul3A_33 = arith.muli %select_n3A_30, %mul3A_32 : i32
    %jit3A_34 = arith.constant 128 : i32
    %div3A_35 = arith.divsi %mul3A_33, %jit3A_34 : i32
    %sign3A_36 = arith.constant 0 : i32
    %sign3A_37 = arith.cmpi sgt, %mul3A_33, %sign3A_36 : i32
    %sign3A_38 = arith.extui %sign3A_37 : i1 to i32
    %sign3A_39 = arith.constant 0 : i32
    %sign3A_40 = arith.cmpi slt, %mul3A_33, %sign3A_39 : i32
    %sign3A_41 = arith.extui %sign3A_40 : i1 to i32
    %sign3A_42 = arith.subi %sign3A_38, %sign3A_41 : i32
    %sign3A_43 = arith.constant 0 : i32
    %sign3A_44 = arith.cmpi sgt, %jit3A_34, %sign3A_43 : i32
    %sign3A_45 = arith.extui %sign3A_44 : i1 to i32
    %sign3A_46 = arith.constant 0 : i32
    %sign3A_47 = arith.cmpi slt, %jit3A_34, %sign3A_46 : i32
    %sign3A_48 = arith.extui %sign3A_47 : i1 to i32
    %sign3A_49 = arith.subi %sign3A_45, %sign3A_48 : i32
    %ne3A_50 = arith.cmpi ne, %sign3A_42, %sign3A_49 : i32
    %rem3A_51 = arith.remsi %mul3A_33, %jit3A_34 : i32
    %ne3A_52 = arith.constant 0 : i32
    %ne3A_53 = arith.cmpi ne, %rem3A_51, %ne3A_52 : i32
    %and3A_54 = arith.andi %ne3A_50, %ne3A_53 : i1
    %sub3A_55 = arith.constant 1 : i32
    %sub3A_56 = arith.subi %div3A_35, %sub3A_55 : i32
    %select_n3A_57 = arith.select %and3A_54, %sub3A_56, %div3A_35 : i32
    %iota3A = tpu.iota {dimensions = array<i32: 0>} : vector<16xi32>
    %scan3A = arith.constant 0 : i32
    %scan3A_58 = arith.constant 160 : i32
    %scan3A_59 = arith.addi %scan3A, %scan3A_58 : i32
    %scan3A_60 = arith.constant 1 : i32
    scf.for %scan3A_137 = %scan3A to %scan3A_59 step %scan3A_60  : i32 {
      %mul3A_138 = arith.constant 1 : i32
      %mul3A_139 = arith.muli %scan3A_137, %mul3A_138 : i32
      %add3A_140 = arith.constant 0 : i32
      %add3A_141 = arith.addi %add3A_140, %mul3A_139 : i32
      %broadcast_in_dim3A_142 = arith.constant 0.000000e+00 : f32
      %broadcast_in_dim3A_143 = vector.broadcast %broadcast_in_dim3A_142 : f32 to vector<16xf32>
      %swap3A = arith.index_cast %add3A_141 : i32 to index
      %swap3A_144 = arith.constant 0 : index
      %swap3A_145 = tpu.vector_load %arg14[%swap3A, %swap3A_144] {strides = array<i32>} : memref<160x112xf32, #tpu.memory_space<vmem>>, vector<16xf32>,
      tpu.vector_store %arg14[%swap3A, %swap3A_144], %broadcast_in_dim3A_143 {strides = array<i32>} : memref<160x112xf32, #tpu.memory_space<vmem>>, vector<16xf32>,
      %broadcast_in_dim3A_146 = arith.constant 0.000000e+00 : f32
      %broadcast_in_dim3A_147 = vector.broadcast %broadcast_in_dim3A_146 : f32 to vector<16xf32>
      %swap3A_148 = arith.index_cast %add3A_141 : i32 to index
      %swap3A_149 = arith.constant 16 : index
      %swap3A_150 = tpu.vector_load %arg14[%swap3A_148, %swap3A_149] {strides = array<i32>} : memref<160x112xf32, #tpu.memory_space<vmem>>, vector<16xf32>,
      tpu.vector_store %arg14[%swap3A_148, %swap3A_149], %broadcast_in_dim3A_147 {strides = array<i32>} : memref<160x112xf32, #tpu.memory_space<vmem>>, vector<16xf32>,
      %broadcast_in_dim3A_151 = arith.constant 0.000000e+00 : f32
      %broadcast_in_dim3A_152 = vector.broadcast %broadcast_in_dim3A_151 : f32 to vector<16xf32>
      %swap3A_153 = arith.index_cast %add3A_141 : i32 to index
      %swap3A_154 = arith.constant 32 : index
      %swap3A_155 = tpu.vector_load %arg14[%swap3A_153, %swap3A_154] {strides = array<i32>} : memref<160x112xf32, #tpu.memory_space<vmem>>, vector<16xf32>,
      tpu.vector_store %arg14[%swap3A_153, %swap3A_154], %broadcast_in_dim3A_152 {strides = array<i32>} : memref<160x112xf32, #tpu.memory_space<vmem>>, vector<16xf32>,
      %broadcast_in_dim3A_156 = arith.constant 0.000000e+00 : f32
      %broadcast_in_dim3A_157 = vector.broadcast %broadcast_in_dim3A_156 : f32 to vector<16xf32>
      %swap3A_158 = arith.index_cast %add3A_141 : i32 to index
      %swap3A_159 = arith.constant 48 : index
      %swap3A_160 = tpu.vector_load %arg14[%swap3A_158, %swap3A_159] {strides = array<i32>} : memref<160x112xf32, #tpu.memory_space<vmem>>, vector<16xf32>,
      tpu.vector_store %arg14[%swap3A_158, %swap3A_159], %broadcast_in_dim3A_157 {strides = array<i32>} : memref<160x112xf32, #tpu.memory_space<vmem>>, vector<16xf32>,
      %broadcast_in_dim3A_161 = arith.constant 0.000000e+00 : f32
      %broadcast_in_dim3A_162 = vector.broadcast %broadcast_in_dim3A_161 : f32 to vector<16xf32>
      %swap3A_163 = arith.index_cast %add3A_141 : i32 to index
      %swap3A_164 = arith.constant 64 : index
      %swap3A_165 = tpu.vector_load %arg14[%swap3A_163, %swap3A_164] {strides = array<i32>} : memref<160x112xf32, #tpu.memory_space<vmem>>, vector<16xf32>,
      tpu.vector_store %arg14[%swap3A_163, %swap3A_164], %broadcast_in_dim3A_162 {strides = array<i32>} : memref<160x112xf32, #tpu.memory_space<vmem>>, vector<16xf32>,
      %broadcast_in_dim3A_166 = arith.constant 0.000000e+00 : f32
      %broadcast_in_dim3A_167 = vector.broadcast %broadcast_in_dim3A_166 : f32 to vector<16xf32>
      %swap3A_168 = arith.index_cast %add3A_141 : i32 to index
      %swap3A_169 = arith.constant 80 : index
      %swap3A_170 = tpu.vector_load %arg14[%swap3A_168, %swap3A_169] {strides = array<i32>} : memref<160x112xf32, #tpu.memory_space<vmem>>, vector<16xf32>,
      tpu.vector_store %arg14[%swap3A_168, %swap3A_169], %broadcast_in_dim3A_167 {strides = array<i32>} : memref<160x112xf32, #tpu.memory_space<vmem>>, vector<16xf32>,
      %broadcast_in_dim3A_171 = arith.constant 0.000000e+00 : f32
      %broadcast_in_dim3A_172 = vector.broadcast %broadcast_in_dim3A_171 : f32 to vector<16xf32>
      %swap3A_173 = arith.index_cast %add3A_141 : i32 to index
      %swap3A_174 = arith.constant 96 : index
      %swap3A_175 = tpu.vector_load %arg14[%swap3A_173, %swap3A_174] {strides = array<i32>} : memref<160x112xf32, #tpu.memory_space<vmem>>, vector<16xf32>,
      tpu.vector_store %arg14[%swap3A_173, %swap3A_174], %broadcast_in_dim3A_172 {strides = array<i32>} : memref<160x112xf32, #tpu.memory_space<vmem>>, vector<16xf32>,
    }
    %scan3A_61 = arith.constant 160 : i32
    "tpu.region"() ({
      %run_scoped3A = tpu.sem_alloc : memref<!tpu.dma_semaphore, #tpu.memory_space<semaphore_mem>>
      %dma_start3A_137 = arith.constant 0 : i32
      %dma_start3A_138 = tpu.memref_slice %arg3[%add3A, %select_n3A_30, %dma_start3A_137] : memref<4x8x3072xi32, #tpu.memory_space<hbm>> -> memref<1x1x3072xi32, #tpu.memory_space<hbm>>
      %dma_start3A_139 = tpu.memref_squeeze %dma_start3A_138 : memref<1x1x3072xi32, #tpu.memory_space<hbm>> -> memref<3072xi32, #tpu.memory_space<hbm>>
      %dma_start3A_140 = arith.constant 0 : i32
      %dma_start3A_141 = tpu.memref_slice %arg3[%add3A, %select_n3A_30, %dma_start3A_140] : memref<4x8x3072xi32, #tpu.memory_space<hbm>> -> memref<1x1x3072xi32, #tpu.memory_space<hbm>>
      %dma_start3A_142 = tpu.memref_squeeze %dma_start3A_141 : memref<1x1x3072xi32, #tpu.memory_space<hbm>> -> memref<3072xi32, #tpu.memory_space<hbm>>
      tpu.enqueue_dma source(%dma_start3A_142 : memref<3072xi32, #tpu.memory_space<hbm>>) target(%arg9 : memref<3072xi32, #tpu.memory_space<vmem>>) target_semaphore(%run_scoped3A : memref<!tpu.dma_semaphore, #tpu.memory_space<semaphore_mem>>)
      %dma_wait3A_143 = arith.constant 0 : i32
      %dma_wait3A_144 = tpu.memref_slice %arg3[%add3A, %select_n3A_30, %dma_wait3A_143] : memref<4x8x3072xi32, #tpu.memory_space<hbm>> -> memref<1x1x3072xi32, #tpu.memory_space<hbm>>
      %dma_wait3A_145 = tpu.memref_squeeze %dma_wait3A_144 : memref<1x1x3072xi32, #tpu.memory_space<hbm>> -> memref<3072xi32, #tpu.memory_space<hbm>>
      %dma_wait3A_146 = arith.constant 0 : i32
      %dma_wait3A_147 = tpu.memref_slice %arg3[%add3A, %select_n3A_30, %dma_wait3A_146] : memref<4x8x3072xi32, #tpu.memory_space<hbm>> -> memref<1x1x3072xi32, #tpu.memory_space<hbm>>
      %dma_wait3A_148 = tpu.memref_squeeze %dma_wait3A_147 : memref<1x1x3072xi32, #tpu.memory_space<hbm>> -> memref<3072xi32, #tpu.memory_space<hbm>>
      tpu.wait_dma2 semaphore(%run_scoped3A : memref<!tpu.dma_semaphore, #tpu.memory_space<semaphore_mem>>) src(%dma_wait3A_148 : memref<3072xi32, #tpu.memory_space<hbm>>) dst(%arg9 : memref<3072xi32, #tpu.memory_space<vmem>>)
      tpu.yield
    }) : () -> ()
    "tpu.region"() ({
      %run_scoped3A = tpu.sem_alloc : memref<!tpu.dma_semaphore, #tpu.memory_space<semaphore_mem>>
      %dma_start3A_137 = arith.constant 0 : i32
      %dma_start3A_138 = tpu.memref_slice %arg4[%add3A, %select_n3A_30, %dma_start3A_137] : memref<4x8x3072xi32, #tpu.memory_space<hbm>> -> memref<1x1x3072xi32, #tpu.memory_space<hbm>>
      %dma_start3A_139 = tpu.memref_squeeze %dma_start3A_138 : memref<1x1x3072xi32, #tpu.memory_space<hbm>> -> memref<3072xi32, #tpu.memory_space<hbm>>
      %dma_start3A_140 = arith.constant 0 : i32
      %dma_start3A_141 = tpu.memref_slice %arg4[%add3A, %select_n3A_30, %dma_start3A_140] : memref<4x8x3072xi32, #tpu.memory_space<hbm>> -> memref<1x1x3072xi32, #tpu.memory_space<hbm>>
      %dma_start3A_142 = tpu.memref_squeeze %dma_start3A_141 : memref<1x1x3072xi32, #tpu.memory_space<hbm>> -> memref<3072xi32, #tpu.memory_space<hbm>>
      tpu.enqueue_dma source(%dma_start3A_142 : memref<3072xi32, #tpu.memory_space<hbm>>) target(%arg10 : memref<3072xi32, #tpu.memory_space<vmem>>) target_semaphore(%run_scoped3A : memref<!tpu.dma_semaphore, #tpu.memory_space<semaphore_mem>>)
      %dma_wait3A_143 = arith.constant 0 : i32
      %dma_wait3A_144 = tpu.memref_slice %arg4[%add3A, %select_n3A_30, %dma_wait3A_143] : memref<4x8x3072xi32, #tpu.memory_space<hbm>> -> memref<1x1x3072xi32, #tpu.memory_space<hbm>>
      %dma_wait3A_145 = tpu.memref_squeeze %dma_wait3A_144 : memref<1x1x3072xi32, #tpu.memory_space<hbm>> -> memref<3072xi32, #tpu.memory_space<hbm>>
      %dma_wait3A_146 = arith.constant 0 : i32
      %dma_wait3A_147 = tpu.memref_slice %arg4[%add3A, %select_n3A_30, %dma_wait3A_146] : memref<4x8x3072xi32, #tpu.memory_space<hbm>> -> memref<1x1x3072xi32, #tpu.memory_space<hbm>>
      %dma_wait3A_148 = tpu.memref_squeeze %dma_wait3A_147 : memref<1x1x3072xi32, #tpu.memory_space<hbm>> -> memref<3072xi32, #tpu.memory_space<hbm>>
      tpu.wait_dma2 semaphore(%run_scoped3A : memref<!tpu.dma_semaphore, #tpu.memory_space<semaphore_mem>>) src(%dma_wait3A_148 : memref<3072xi32, #tpu.memory_space<hbm>>) dst(%arg10 : memref<3072xi32, #tpu.memory_space<vmem>>)
      tpu.yield
    }) : () -> ()
    "tpu.region"() ({
      %run_scoped3A = tpu.sem_alloc : memref<!tpu.dma_semaphore, #tpu.memory_space<semaphore_mem>>
      %dma_start3A_137 = arith.constant 0 : i32
      %dma_start3A_138 = tpu.memref_slice %arg5[%add3A, %dma_start3A_137] : memref<4x160xf32, #tpu.memory_space<hbm>> -> memref<1x160xf32, #tpu.memory_space<hbm>>
      %dma_start3A_139 = tpu.memref_squeeze %dma_start3A_138 : memref<1x160xf32, #tpu.memory_space<hbm>> -> memref<160xf32, #tpu.memory_space<hbm>>
      %dma_start3A_140 = arith.constant 0 : i32
      %dma_start3A_141 = tpu.memref_slice %arg5[%add3A, %dma_start3A_140] : memref<4x160xf32, #tpu.memory_space<hbm>> -> memref<1x160xf32, #tpu.memory_space<hbm>>
      %dma_start3A_142 = tpu.memref_squeeze %dma_start3A_141 : memref<1x160xf32, #tpu.memory_space<hbm>> -> memref<160xf32, #tpu.memory_space<hbm>>
      tpu.enqueue_dma source(%dma_start3A_142 : memref<160xf32, #tpu.memory_space<hbm>>) target(%arg13 : memref<160xf32, #tpu.memory_space<vmem>>) target_semaphore(%run_scoped3A : memref<!tpu.dma_semaphore, #tpu.memory_space<semaphore_mem>>)
      %dma_wait3A_143 = arith.constant 0 : i32
      %dma_wait3A_144 = tpu.memref_slice %arg5[%add3A, %dma_wait3A_143] : memref<4x160xf32, #tpu.memory_space<hbm>> -> memref<1x160xf32, #tpu.memory_space<hbm>>
      %dma_wait3A_145 = tpu.memref_squeeze %dma_wait3A_144 : memref<1x160xf32, #tpu.memory_space<hbm>> -> memref<160xf32, #tpu.memory_space<hbm>>
      %dma_wait3A_146 = arith.constant 0 : i32
      %dma_wait3A_147 = tpu.memref_slice %arg5[%add3A, %dma_wait3A_146] : memref<4x160xf32, #tpu.memory_space<hbm>> -> memref<1x160xf32, #tpu.memory_space<hbm>>
      %dma_wait3A_148 = tpu.memref_squeeze %dma_wait3A_147 : memref<1x160xf32, #tpu.memory_space<hbm>> -> memref<160xf32, #tpu.memory_space<hbm>>
      tpu.wait_dma2 semaphore(%run_scoped3A : memref<!tpu.dma_semaphore, #tpu.memory_space<semaphore_mem>>) src(%dma_wait3A_148 : memref<160xf32, #tpu.memory_space<hbm>>) dst(%arg13 : memref<160xf32, #tpu.memory_space<vmem>>)
      tpu.yield
    }) : () -> ()
    %while3A = arith.constant 0 : i32
    %while3A_62 = arith.constant true
    %while3A_63:2 = scf.while (%while3A_137 = %while3A, %while3A_138 = %while3A_62) : (i32, i1) -> (i32, i1) {
      scf.condition(%while3A_138) %while3A_137, %while3A_138 : i32, i1
    } do {
    ^bb0(%while3A_137: i32, %while3A_138: i1):
      %mul3A_139 = arith.constant 16 : i32
      %mul3A_140 = arith.muli %while3A_137, %mul3A_139 : i32
      %get3A_141 = arith.index_cast %mul3A_140 : i32 to index
      %get3A_142 = tpu.vector_load %arg10[%get3A_141] {strides = array<i32>} : memref<3072xi32, #tpu.memory_space<vmem>>, vector<16xi32>,
      %eq3A_143 = arith.constant 255 : i32
      %eq3A_144 = vector.broadcast %eq3A_143 : i32 to vector<16xi32>
      %eq3A_145 = arith.cmpi eq, %get3A_142, %eq3A_144 : vector<16xi32>
      %convert_element_type3A_146 = arith.extui %eq3A_145 : vector<16xi1> to vector<16xi32>
      %reduce_sum3A_147 = arith.constant true
      %reduce_sum3A_148 = vector.broadcast %reduce_sum3A_147 : i1 to vector<16xi1>
      %reduce_sum3A_149 = tpu.scan <sum>, %convert_element_type3A_146 masked %reduce_sum3A_148 : vector<16xi32>, vector<16xi1> -> vector<16xi32>
      %reduce_sum3A_150 = vector.extract %reduce_sum3A_149[15] : i32 from vector<16xi32>
      %add3A_151 = arith.constant 1 : i32
      %add3A_152 = arith.addi %while3A_137, %add3A_151 : i32
      %eq3A_153 = arith.constant 0 : i32
      %eq3A_154 = arith.cmpi eq, %reduce_sum3A_150, %eq3A_153 : i32
      %add3A_155 = arith.constant 1 : i32
      %add3A_156 = arith.addi %while3A_137, %add3A_155 : i32
      %lt3A_157 = arith.constant 192 : i32
      %lt3A_158 = arith.cmpi slt, %add3A_156, %lt3A_157 : i32
      %and3A_159 = arith.andi %eq3A_154, %lt3A_158 : i1
      scf.yield %add3A_152, %and3A_159 : i32, i1
    }
    %sub3A_64 = arith.constant 1 : i32
    %sub3A_65 = arith.subi %while3A_63#0, %sub3A_64 : i32
    %mul3A_66 = arith.constant 16 : i32
    %mul3A_67 = arith.muli %sub3A_65, %mul3A_66 : i32
    %get3A = arith.index_cast %mul3A_67 : i32 to index
    %get3A_68 = tpu.vector_load %arg10[%get3A] {strides = array<i32>} : memref<3072xi32, #tpu.memory_space<vmem>>, vector<16xi32>,
    %eq3A_69 = arith.constant 255 : i32
    %eq3A_70 = vector.broadcast %eq3A_69 : i32 to vector<16xi32>
    %eq3A_71 = arith.cmpi eq, %get3A_68, %eq3A_70 : vector<16xi32>
    %convert_element_type3A = arith.extui %eq3A_71 : vector<16xi1> to vector<16xi32>
    %reduce_sum3A = arith.constant true
    %reduce_sum3A_72 = vector.broadcast %reduce_sum3A : i1 to vector<16xi1>
    %reduce_sum3A_73 = tpu.scan <sum>, %convert_element_type3A masked %reduce_sum3A_72 : vector<16xi32>, vector<16xi1> -> vector<16xi32>
    %reduce_sum3A_74 = vector.extract %reduce_sum3A_73[15] : i32 from vector<16xi32>
    %gt3A = arith.constant 0 : i32
    %gt3A_75 = arith.cmpi sgt, %reduce_sum3A_74, %gt3A : i32
    %convert_element_type3A_76 = arith.extui %gt3A_75 : i1 to i32
    %sub3A_77 = arith.subi %while3A_63#0, %convert_element_type3A_76 : i32
    %while3A_78 = arith.constant 0 : i32
    %while3A_79 = arith.constant 0 : i32
    %while3A_80 = arith.subi %sub3A_77, %while3A_78 : i32
    %while3A_81 = arith.addi %while3A_78, %while3A_80 : i32
    %while3A_82 = arith.constant 1 : i32
    %while3A_83 = arith.divsi %while3A_80, %while3A_82 : i32
    %while3A_84 = arith.muli %while3A_83, %while3A_82 : i32
    %while3A_85 = arith.addi %while3A_78, %while3A_84 : i32
    %while3A_86 = arith.constant 1 : i32
    %while3A_87 = scf.for %while3A_137 = %while3A_78 to %while3A_85 step %while3A_86 iter_args(%while3A_138 = %while3A_79) -> (i32)  : i32 {
      %mul3A_139 = arith.constant 16 : i32
      %mul3A_140 = arith.muli %while3A_137, %mul3A_139 : i32
      %get3A_141 = arith.index_cast %mul3A_140 : i32 to index
      %get3A_142 = tpu.vector_load %arg9[%get3A_141] {strides = array<i32>} : memref<3072xi32, #tpu.memory_space<vmem>>, vector<16xi32>,
      %shift_right_logical3A = arith.constant 7 : i32
      %shift_right_logical3A_143 = vector.broadcast %shift_right_logical3A : i32 to vector<16xi32>
      %shift_right_logical3A_144 = arith.shrui %get3A_142, %shift_right_logical3A_143 : vector<16xi32>
      %sub3A_145 = vector.broadcast %select_n3A_57 : i32 to vector<16xi32>
      %sub3A_146 = arith.subi %shift_right_logical3A_144, %sub3A_145 : vector<16xi32>
      %mul3A_147 = arith.constant 16 : i32
      %mul3A_148 = arith.muli %while3A_137, %mul3A_147 : i32
      %swap3A = arith.index_cast %mul3A_148 : i32 to index
      %swap3A_149 = tpu.vector_load %arg11[%swap3A] {strides = array<i32>} : memref<3072xi32, #tpu.memory_space<vmem>>, vector<16xi32>,
      tpu.vector_store %arg11[%swap3A], %sub3A_146 {strides = array<i32>} : memref<3072xi32, #tpu.memory_space<vmem>>, vector<16xi32>,
      %and3A_150 = arith.constant 127 : i32
      %and3A_151 = vector.broadcast %and3A_150 : i32 to vector<16xi32>
      %and3A_152 = arith.andi %get3A_142, %and3A_151 : vector<16xi32>
      %mul3A_153 = arith.constant 16 : i32
      %mul3A_154 = arith.muli %while3A_137, %mul3A_153 : i32
      %swap3A_155 = arith.index_cast %mul3A_154 : i32 to index
      %swap3A_156 = tpu.vector_load %arg12[%swap3A_155] {strides = array<i32>} : memref<3072xi32, #tpu.memory_space<vmem>>, vector<16xi32>,
      tpu.vector_store %arg12[%swap3A_155], %and3A_152 {strides = array<i32>} : memref<3072xi32, #tpu.memory_space<vmem>>, vector<16xi32>,
      %while3A_157 = arith.constant 0 : i32
      scf.yield %while3A_157 : i32
    }
    %while3A_88 = arith.constant 1 : i32
    %while3A_89 = scf.for %while3A_137 = %while3A_85 to %while3A_81 step %while3A_88 iter_args(%while3A_138 = %while3A_87) -> (i32)  : i32 {
      %mul3A_139 = arith.constant 16 : i32
      %mul3A_140 = arith.muli %while3A_137, %mul3A_139 : i32
      %get3A_141 = arith.index_cast %mul3A_140 : i32 to index
      %get3A_142 = tpu.vector_load %arg9[%get3A_141] {strides = array<i32>} : memref<3072xi32, #tpu.memory_space<vmem>>, vector<16xi32>,
      %shift_right_logical3A = arith.constant 7 : i32
      %shift_right_logical3A_143 = vector.broadcast %shift_right_logical3A : i32 to vector<16xi32>
      %shift_right_logical3A_144 = arith.shrui %get3A_142, %shift_right_logical3A_143 : vector<16xi32>
      %sub3A_145 = vector.broadcast %select_n3A_57 : i32 to vector<16xi32>
      %sub3A_146 = arith.subi %shift_right_logical3A_144, %sub3A_145 : vector<16xi32>
      %mul3A_147 = arith.constant 16 : i32
      %mul3A_148 = arith.muli %while3A_137, %mul3A_147 : i32
      %swap3A = arith.index_cast %mul3A_148 : i32 to index
      %swap3A_149 = tpu.vector_load %arg11[%swap3A] {strides = array<i32>} : memref<3072xi32, #tpu.memory_space<vmem>>, vector<16xi32>,
      tpu.vector_store %arg11[%swap3A], %sub3A_146 {strides = array<i32>} : memref<3072xi32, #tpu.memory_space<vmem>>, vector<16xi32>,
      %and3A_150 = arith.constant 127 : i32
      %and3A_151 = vector.broadcast %and3A_150 : i32 to vector<16xi32>
      %and3A_152 = arith.andi %get3A_142, %and3A_151 : vector<16xi32>
      %mul3A_153 = arith.constant 16 : i32
      %mul3A_154 = arith.muli %while3A_137, %mul3A_153 : i32
      %swap3A_155 = arith.index_cast %mul3A_154 : i32 to index
      %swap3A_156 = tpu.vector_load %arg12[%swap3A_155] {strides = array<i32>} : memref<3072xi32, #tpu.memory_space<vmem>>, vector<16xi32>,
      tpu.vector_store %arg12[%swap3A_155], %and3A_152 {strides = array<i32>} : memref<3072xi32, #tpu.memory_space<vmem>>, vector<16xi32>,
      %while3A_157 = arith.constant 0 : i32
      scf.yield %while3A_157 : i32
    }
    %dma_start3A = arith.constant 0 : i32
    %dma_start3A_90 = arith.constant 0 : i32
    %dma_start3A_91 = tpu.memref_slice %arg2[%dma_start3A, %select_n3A_57, %add3A, %dma_start3A_90] : memref<101x391x4x128xf32, #tpu.memory_space<hbm>> -> memref<1x50x1x128xf32, #tpu.memory_space<hbm>>
    %dma_start3A_92 = tpu.memref_squeeze %dma_start3A_91 : memref<1x50x1x128xf32, #tpu.memory_space<hbm>> -> memref<50x128xf32, #tpu.memory_space<hbm>>
    %dma_start3A_93 = arith.constant 0 : i32
    %dma_start3A_94 = tpu.memref_slice %arg2[%dma_start3A, %select_n3A_57, %add3A, %dma_start3A_93] : memref<101x391x4x128xf32, #tpu.memory_space<hbm>> -> memref<1x50x1x128xf32, #tpu.memory_space<hbm>>
    %dma_start3A_95 = tpu.memref_squeeze %dma_start3A_94 : memref<1x50x1x128xf32, #tpu.memory_space<hbm>> -> memref<50x128xf32, #tpu.memory_space<hbm>>
    tpu.enqueue_dma source(%dma_start3A_95 : memref<50x128xf32, #tpu.memory_space<hbm>>) target(%arg7 : memref<50x128xf32, #tpu.memory_space<vmem>>) target_semaphore(%arg18 : memref<!tpu.dma_semaphore, #tpu.memory_space<semaphore_mem>>)
    %scan3A_96 = arith.constant 0 : i32
    %scan3A_97 = arith.constant 50 : i32
    %scan3A_98 = arith.addi %scan3A_96, %scan3A_97 : i32
    %scan3A_99 = arith.constant 1 : i32
    scf.for %scan3A_137 = %scan3A_96 to %scan3A_98 step %scan3A_99  : i32 {
      %mul3A_138 = arith.constant 1 : i32
      %mul3A_139 = arith.muli %scan3A_137, %mul3A_138 : i32
      %add3A_140 = arith.constant 0 : i32
      %add3A_141 = arith.addi %add3A_140, %mul3A_139 : i32
      %mul3A_142 = arith.constant 2 : i32
      %mul3A_143 = arith.muli %add3A_141, %mul3A_142 : i32
      %dma_wait3A_144 = arith.constant 0 : i32
      %dma_wait3A_145 = tpu.memref_slice %arg2[%mul3A_143, %select_n3A_57, %add3A, %dma_wait3A_144] : memref<101x391x4x128xf32, #tpu.memory_space<hbm>> -> memref<1x50x1x128xf32, #tpu.memory_space<hbm>>
      %dma_wait3A_146 = tpu.memref_squeeze %dma_wait3A_145 : memref<1x50x1x128xf32, #tpu.memory_space<hbm>> -> memref<50x128xf32, #tpu.memory_space<hbm>>
      %dma_wait3A_147 = arith.constant 0 : i32
      %dma_wait3A_148 = tpu.memref_slice %arg2[%mul3A_143, %select_n3A_57, %add3A, %dma_wait3A_147] : memref<101x391x4x128xf32, #tpu.memory_space<hbm>> -> memref<1x50x1x128xf32, #tpu.memory_space<hbm>>
      %dma_wait3A_149 = tpu.memref_squeeze %dma_wait3A_148 : memref<1x50x1x128xf32, #tpu.memory_space<hbm>> -> memref<50x128xf32, #tpu.memory_space<hbm>>
      tpu.wait_dma2 semaphore(%arg18 : memref<!tpu.dma_semaphore, #tpu.memory_space<semaphore_mem>>) src(%dma_wait3A_149 : memref<50x128xf32, #tpu.memory_space<hbm>>) dst(%arg7 : memref<50x128xf32, #tpu.memory_space<vmem>>)
      %add3A_150 = arith.constant 1 : i32
      %add3A_151 = arith.addi %mul3A_143, %add3A_150 : i32
      %dma_start3A_152 = arith.constant 0 : i32
      %dma_start3A_153 = tpu.memref_slice %arg2[%add3A_151, %select_n3A_57, %add3A, %dma_start3A_152] : memref<101x391x4x128xf32, #tpu.memory_space<hbm>> -> memref<1x50x1x128xf32, #tpu.memory_space<hbm>>
      %dma_start3A_154 = tpu.memref_squeeze %dma_start3A_153 : memref<1x50x1x128xf32, #tpu.memory_space<hbm>> -> memref<50x128xf32, #tpu.memory_space<hbm>>
      %dma_start3A_155 = arith.constant 0 : i32
      %dma_start3A_156 = tpu.memref_slice %arg2[%add3A_151, %select_n3A_57, %add3A, %dma_start3A_155] : memref<101x391x4x128xf32, #tpu.memory_space<hbm>> -> memref<1x50x1x128xf32, #tpu.memory_space<hbm>>
      %dma_start3A_157 = tpu.memref_squeeze %dma_start3A_156 : memref<1x50x1x128xf32, #tpu.memory_space<hbm>> -> memref<50x128xf32, #tpu.memory_space<hbm>>
      tpu.enqueue_dma source(%dma_start3A_157 : memref<50x128xf32, #tpu.memory_space<hbm>>) target(%arg8 : memref<50x128xf32, #tpu.memory_space<vmem>>) target_semaphore(%arg19 : memref<!tpu.dma_semaphore, #tpu.memory_space<semaphore_mem>>)
      %broadcast_in_dim3A_158 = vector.broadcast %mul3A_143 : i32 to vector<16xi32>
      %while3A_159 = arith.constant 0 : i32
      %while3A_160 = arith.constant 0 : i32
      %while3A_161 = arith.subi %sub3A_77, %while3A_159 : i32
      %while3A_162 = arith.addi %while3A_159, %while3A_161 : i32
      %while3A_163 = arith.constant 1 : i32
      %while3A_164 = arith.divsi %while3A_161, %while3A_163 : i32
      %while3A_165 = arith.muli %while3A_164, %while3A_163 : i32
      %while3A_166 = arith.addi %while3A_159, %while3A_165 : i32
      %while3A_167 = arith.constant 1 : i32
      %while3A_168 = scf.for %while3A_202 = %while3A_159 to %while3A_166 step %while3A_167 iter_args(%while3A_203 = %while3A_160) -> (i32)  : i32 {
        %mul3A_204 = arith.constant 16 : i32
        %mul3A_205 = arith.muli %while3A_202, %mul3A_204 : i32
        %get3A_206 = arith.index_cast %mul3A_205 : i32 to index
        %get3A_207 = tpu.vector_load %arg11[%get3A_206] {strides = array<i32>} : memref<3072xi32, #tpu.memory_space<vmem>>, vector<16xi32>,
        %get3A_208 = arith.index_cast %mul3A_205 : i32 to index
        %get3A_209 = tpu.vector_load %arg12[%get3A_208] {strides = array<i32>} : memref<3072xi32, #tpu.memory_space<vmem>>, vector<16xi32>,
        %gather3A = tpu.vector_load_idx %arg7[%get3A_207, %get3A_209] : memref<50x128xf32, #tpu.memory_space<vmem>>[vector<16xi32>, vector<16xi32>], vector<16xf32>,
        %get3A_210 = arith.index_cast %mul3A_205 : i32 to index
        %get3A_211 = tpu.vector_load %arg10[%get3A_210] {strides = array<i32>} : memref<3072xi32, #tpu.memory_space<vmem>>, vector<16xi32>,
        tpu.vector_store_idx %arg14[%get3A_211, %broadcast_in_dim3A_158], %gather3A {add = true} : memref<160x112xf32, #tpu.memory_space<vmem>>[vector<16xi32>, vector<16xi32>], vector<16xf32>,
        %while3A_212 = arith.constant 0 : i32
        scf.yield %while3A_212 : i32
      }
      %while3A_169 = arith.constant 1 : i32
      %while3A_170 = scf.for %while3A_202 = %while3A_166 to %while3A_162 step %while3A_169 iter_args(%while3A_203 = %while3A_168) -> (i32)  : i32 {
        %mul3A_204 = arith.constant 16 : i32
        %mul3A_205 = arith.muli %while3A_202, %mul3A_204 : i32
        %get3A_206 = arith.index_cast %mul3A_205 : i32 to index
        %get3A_207 = tpu.vector_load %arg11[%get3A_206] {strides = array<i32>} : memref<3072xi32, #tpu.memory_space<vmem>>, vector<16xi32>,
        %get3A_208 = arith.index_cast %mul3A_205 : i32 to index
        %get3A_209 = tpu.vector_load %arg12[%get3A_208] {strides = array<i32>} : memref<3072xi32, #tpu.memory_space<vmem>>, vector<16xi32>,
        %gather3A = tpu.vector_load_idx %arg7[%get3A_207, %get3A_209] : memref<50x128xf32, #tpu.memory_space<vmem>>[vector<16xi32>, vector<16xi32>], vector<16xf32>,
        %get3A_210 = arith.index_cast %mul3A_205 : i32 to index
        %get3A_211 = tpu.vector_load %arg10[%get3A_210] {strides = array<i32>} : memref<3072xi32, #tpu.memory_space<vmem>>, vector<16xi32>,
        tpu.vector_store_idx %arg14[%get3A_211, %broadcast_in_dim3A_158], %gather3A {add = true} : memref<160x112xf32, #tpu.memory_space<vmem>>[vector<16xi32>, vector<16xi32>], vector<16xf32>,
        %while3A_212 = arith.constant 0 : i32
        scf.yield %while3A_212 : i32
      }
      %add3A_171 = arith.constant 1 : i32
      %add3A_172 = arith.addi %mul3A_143, %add3A_171 : i32
      %dma_wait3A_173 = arith.constant 0 : i32
      %dma_wait3A_174 = tpu.memref_slice %arg2[%add3A_172, %select_n3A_57, %add3A, %dma_wait3A_173] : memref<101x391x4x128xf32, #tpu.memory_space<hbm>> -> memref<1x50x1x128xf32, #tpu.memory_space<hbm>>
      %dma_wait3A_175 = tpu.memref_squeeze %dma_wait3A_174 : memref<1x50x1x128xf32, #tpu.memory_space<hbm>> -> memref<50x128xf32, #tpu.memory_space<hbm>>
      %dma_wait3A_176 = arith.constant 0 : i32
      %dma_wait3A_177 = tpu.memref_slice %arg2[%add3A_172, %select_n3A_57, %add3A, %dma_wait3A_176] : memref<101x391x4x128xf32, #tpu.memory_space<hbm>> -> memref<1x50x1x128xf32, #tpu.memory_space<hbm>>
      %dma_wait3A_178 = tpu.memref_squeeze %dma_wait3A_177 : memref<1x50x1x128xf32, #tpu.memory_space<hbm>> -> memref<50x128xf32, #tpu.memory_space<hbm>>
      tpu.wait_dma2 semaphore(%arg19 : memref<!tpu.dma_semaphore, #tpu.memory_space<semaphore_mem>>) src(%dma_wait3A_178 : memref<50x128xf32, #tpu.memory_space<hbm>>) dst(%arg8 : memref<50x128xf32, #tpu.memory_space<vmem>>)
      %add3A_179 = arith.constant 2 : i32
      %add3A_180 = arith.addi %mul3A_143, %add3A_179 : i32
      %dma_start3A_181 = arith.constant 0 : i32
      %dma_start3A_182 = tpu.memref_slice %arg2[%add3A_180, %select_n3A_57, %add3A, %dma_start3A_181] : memref<101x391x4x128xf32, #tpu.memory_space<hbm>> -> memref<1x50x1x128xf32, #tpu.memory_space<hbm>>
      %dma_start3A_183 = tpu.memref_squeeze %dma_start3A_182 : memref<1x50x1x128xf32, #tpu.memory_space<hbm>> -> memref<50x128xf32, #tpu.memory_space<hbm>>
      %dma_start3A_184 = arith.constant 0 : i32
      %dma_start3A_185 = tpu.memref_slice %arg2[%add3A_180, %select_n3A_57, %add3A, %dma_start3A_184] : memref<101x391x4x128xf32, #tpu.memory_space<hbm>> -> memref<1x50x1x128xf32, #tpu.memory_space<hbm>>
      %dma_start3A_186 = tpu.memref_squeeze %dma_start3A_185 : memref<1x50x1x128xf32, #tpu.memory_space<hbm>> -> memref<50x128xf32, #tpu.memory_space<hbm>>
      tpu.enqueue_dma source(%dma_start3A_186 : memref<50x128xf32, #tpu.memory_space<hbm>>) target(%arg7 : memref<50x128xf32, #tpu.memory_space<vmem>>) target_semaphore(%arg18 : memref<!tpu.dma_semaphore, #tpu.memory_space<semaphore_mem>>)
      %add3A_187 = arith.constant 1 : i32
      %add3A_188 = arith.addi %mul3A_143, %add3A_187 : i32
      %broadcast_in_dim3A_189 = vector.broadcast %add3A_188 : i32 to vector<16xi32>
      %while3A_190 = arith.constant 0 : i32
      %while3A_191 = arith.constant 0 : i32
      %while3A_192 = arith.subi %sub3A_77, %while3A_190 : i32
      %while3A_193 = arith.addi %while3A_190, %while3A_192 : i32
      %while3A_194 = arith.constant 1 : i32
      %while3A_195 = arith.divsi %while3A_192, %while3A_194 : i32
      %while3A_196 = arith.muli %while3A_195, %while3A_194 : i32
      %while3A_197 = arith.addi %while3A_190, %while3A_196 : i32
      %while3A_198 = arith.constant 1 : i32
      %while3A_199 = scf.for %while3A_202 = %while3A_190 to %while3A_197 step %while3A_198 iter_args(%while3A_203 = %while3A_191) -> (i32)  : i32 {
        %mul3A_204 = arith.constant 16 : i32
        %mul3A_205 = arith.muli %while3A_202, %mul3A_204 : i32
        %get3A_206 = arith.index_cast %mul3A_205 : i32 to index
        %get3A_207 = tpu.vector_load %arg11[%get3A_206] {strides = array<i32>} : memref<3072xi32, #tpu.memory_space<vmem>>, vector<16xi32>,
        %get3A_208 = arith.index_cast %mul3A_205 : i32 to index
        %get3A_209 = tpu.vector_load %arg12[%get3A_208] {strides = array<i32>} : memref<3072xi32, #tpu.memory_space<vmem>>, vector<16xi32>,
        %gather3A = tpu.vector_load_idx %arg8[%get3A_207, %get3A_209] : memref<50x128xf32, #tpu.memory_space<vmem>>[vector<16xi32>, vector<16xi32>], vector<16xf32>,
        %get3A_210 = arith.index_cast %mul3A_205 : i32 to index
        %get3A_211 = tpu.vector_load %arg10[%get3A_210] {strides = array<i32>} : memref<3072xi32, #tpu.memory_space<vmem>>, vector<16xi32>,
        tpu.vector_store_idx %arg14[%get3A_211, %broadcast_in_dim3A_189], %gather3A {add = true} : memref<160x112xf32, #tpu.memory_space<vmem>>[vector<16xi32>, vector<16xi32>], vector<16xf32>,
        %while3A_212 = arith.constant 0 : i32
        scf.yield %while3A_212 : i32
      }
      %while3A_200 = arith.constant 1 : i32
      %while3A_201 = scf.for %while3A_202 = %while3A_197 to %while3A_193 step %while3A_200 iter_args(%while3A_203 = %while3A_199) -> (i32)  : i32 {
        %mul3A_204 = arith.constant 16 : i32
        %mul3A_205 = arith.muli %while3A_202, %mul3A_204 : i32
        %get3A_206 = arith.index_cast %mul3A_205 : i32 to index
        %get3A_207 = tpu.vector_load %arg11[%get3A_206] {strides = array<i32>} : memref<3072xi32, #tpu.memory_space<vmem>>, vector<16xi32>,
        %get3A_208 = arith.index_cast %mul3A_205 : i32 to index
        %get3A_209 = tpu.vector_load %arg12[%get3A_208] {strides = array<i32>} : memref<3072xi32, #tpu.memory_space<vmem>>, vector<16xi32>,
        %gather3A = tpu.vector_load_idx %arg8[%get3A_207, %get3A_209] : memref<50x128xf32, #tpu.memory_space<vmem>>[vector<16xi32>, vector<16xi32>], vector<16xf32>,
        %get3A_210 = arith.index_cast %mul3A_205 : i32 to index
        %get3A_211 = tpu.vector_load %arg10[%get3A_210] {strides = array<i32>} : memref<3072xi32, #tpu.memory_space<vmem>>, vector<16xi32>,
        tpu.vector_store_idx %arg14[%get3A_211, %broadcast_in_dim3A_189], %gather3A {add = true} : memref<160x112xf32, #tpu.memory_space<vmem>>[vector<16xi32>, vector<16xi32>], vector<16xf32>,
        %while3A_212 = arith.constant 0 : i32
        scf.yield %while3A_212 : i32
      }
    }
    %scan3A_100 = arith.constant 50 : i32
    %dma_wait3A = arith.constant 100 : i32
    %dma_wait3A_101 = arith.constant 0 : i32
    %dma_wait3A_102 = tpu.memref_slice %arg2[%dma_wait3A, %select_n3A_57, %add3A, %dma_wait3A_101] : memref<101x391x4x128xf32, #tpu.memory_space<hbm>> -> memref<1x50x1x128xf32, #tpu.memory_space<hbm>>
    %dma_wait3A_103 = tpu.memref_squeeze %dma_wait3A_102 : memref<1x50x1x128xf32, #tpu.memory_space<hbm>> -> memref<50x128xf32, #tpu.memory_space<hbm>>
    %dma_wait3A_104 = arith.constant 0 : i32
    %dma_wait3A_105 = tpu.memref_slice %arg2[%dma_wait3A, %select_n3A_57, %add3A, %dma_wait3A_104] : memref<101x391x4x128xf32, #tpu.memory_space<hbm>> -> memref<1x50x1x128xf32, #tpu.memory_space<hbm>>
    %dma_wait3A_106 = tpu.memref_squeeze %dma_wait3A_105 : memref<1x50x1x128xf32, #tpu.memory_space<hbm>> -> memref<50x128xf32, #tpu.memory_space<hbm>>
    tpu.wait_dma2 semaphore(%arg18 : memref<!tpu.dma_semaphore, #tpu.memory_space<semaphore_mem>>) src(%dma_wait3A_106 : memref<50x128xf32, #tpu.memory_space<hbm>>) dst(%arg7 : memref<50x128xf32, #tpu.memory_space<vmem>>)
    %broadcast_in_dim3A = arith.constant 100 : i32
    %broadcast_in_dim3A_107 = vector.broadcast %broadcast_in_dim3A : i32 to vector<16xi32>
    %while3A_108 = arith.constant 0 : i32
    %while3A_109 = arith.constant 0 : i32
    %while3A_110 = arith.subi %sub3A_77, %while3A_108 : i32
    %while3A_111 = arith.addi %while3A_108, %while3A_110 : i32
    %while3A_112 = arith.constant 1 : i32
    %while3A_113 = arith.divsi %while3A_110, %while3A_112 : i32
    %while3A_114 = arith.muli %while3A_113, %while3A_112 : i32
    %while3A_115 = arith.addi %while3A_108, %while3A_114 : i32
    %while3A_116 = arith.constant 1 : i32
    %while3A_117 = scf.for %while3A_137 = %while3A_108 to %while3A_115 step %while3A_116 iter_args(%while3A_138 = %while3A_109) -> (i32)  : i32 {
      %mul3A_139 = arith.constant 16 : i32
      %mul3A_140 = arith.muli %while3A_137, %mul3A_139 : i32
      %get3A_141 = arith.index_cast %mul3A_140 : i32 to index
      %get3A_142 = tpu.vector_load %arg11[%get3A_141] {strides = array<i32>} : memref<3072xi32, #tpu.memory_space<vmem>>, vector<16xi32>,
      %get3A_143 = arith.index_cast %mul3A_140 : i32 to index
      %get3A_144 = tpu.vector_load %arg12[%get3A_143] {strides = array<i32>} : memref<3072xi32, #tpu.memory_space<vmem>>, vector<16xi32>,
      %gather3A = tpu.vector_load_idx %arg7[%get3A_142, %get3A_144] : memref<50x128xf32, #tpu.memory_space<vmem>>[vector<16xi32>, vector<16xi32>], vector<16xf32>,
      %get3A_145 = arith.index_cast %mul3A_140 : i32 to index
      %get3A_146 = tpu.vector_load %arg10[%get3A_145] {strides = array<i32>} : memref<3072xi32, #tpu.memory_space<vmem>>, vector<16xi32>,
      tpu.vector_store_idx %arg14[%get3A_146, %broadcast_in_dim3A_107], %gather3A {add = true} : memref<160x112xf32, #tpu.memory_space<vmem>>[vector<16xi32>, vector<16xi32>], vector<16xf32>,
      %while3A_147 = arith.constant 0 : i32
      scf.yield %while3A_147 : i32
    }
    %while3A_118 = arith.constant 1 : i32
    %while3A_119 = scf.for %while3A_137 = %while3A_115 to %while3A_111 step %while3A_118 iter_args(%while3A_138 = %while3A_117) -> (i32)  : i32 {
      %mul3A_139 = arith.constant 16 : i32
      %mul3A_140 = arith.muli %while3A_137, %mul3A_139 : i32
      %get3A_141 = arith.index_cast %mul3A_140 : i32 to index
      %get3A_142 = tpu.vector_load %arg11[%get3A_141] {strides = array<i32>} : memref<3072xi32, #tpu.memory_space<vmem>>, vector<16xi32>,
      %get3A_143 = arith.index_cast %mul3A_140 : i32 to index
      %get3A_144 = tpu.vector_load %arg12[%get3A_143] {strides = array<i32>} : memref<3072xi32, #tpu.memory_space<vmem>>, vector<16xi32>,
      %gather3A = tpu.vector_load_idx %arg7[%get3A_142, %get3A_144] : memref<50x128xf32, #tpu.memory_space<vmem>>[vector<16xi32>, vector<16xi32>], vector<16xf32>,
      %get3A_145 = arith.index_cast %mul3A_140 : i32 to index
      %get3A_146 = tpu.vector_load %arg10[%get3A_145] {strides = array<i32>} : memref<3072xi32, #tpu.memory_space<vmem>>, vector<16xi32>,
      tpu.vector_store_idx %arg14[%get3A_146, %broadcast_in_dim3A_107], %gather3A {add = true} : memref<160x112xf32, #tpu.memory_space<vmem>>[vector<16xi32>, vector<16xi32>], vector<16xf32>,
      %while3A_147 = arith.constant 0 : i32
      scf.yield %while3A_147 : i32
    }
    "tpu.region"() ({
      %run_scoped3A = tpu.sem_alloc : memref<!tpu.dma_semaphore, #tpu.memory_space<semaphore_mem>>
      %dma_start3A_137 = arith.constant 0 : i32
      %dma_start3A_138 = arith.constant 0 : i32
      %dma_start3A_139 = tpu.memref_slice %arg17[%arg1, %dma_start3A_137, %dma_start3A_138] : memref<16x160x112xf32, #tpu.memory_space<vmem_shared>> -> memref<1x160x112xf32, #tpu.memory_space<vmem_shared>>
      %dma_start3A_140 = tpu.memref_squeeze %dma_start3A_139 : memref<1x160x112xf32, #tpu.memory_space<vmem_shared>> -> memref<160x112xf32, #tpu.memory_space<vmem_shared>>
      %dma_start3A_141 = arith.constant 0 : i32
      %dma_start3A_142 = arith.constant 0 : i32
      %dma_start3A_143 = tpu.memref_slice %arg17[%arg1, %dma_start3A_141, %dma_start3A_142] : memref<16x160x112xf32, #tpu.memory_space<vmem_shared>> -> memref<1x160x112xf32, #tpu.memory_space<vmem_shared>>
      %dma_start3A_144 = tpu.memref_squeeze %dma_start3A_143 : memref<1x160x112xf32, #tpu.memory_space<vmem_shared>> -> memref<160x112xf32, #tpu.memory_space<vmem_shared>>
      tpu.enqueue_dma source(%arg14 : memref<160x112xf32, #tpu.memory_space<vmem>>) target(%dma_start3A_144 : memref<160x112xf32, #tpu.memory_space<vmem_shared>>) target_semaphore(%run_scoped3A : memref<!tpu.dma_semaphore, #tpu.memory_space<semaphore_mem>>)
      %dma_wait3A_145 = arith.constant 0 : i32
      %dma_wait3A_146 = arith.constant 0 : i32
      %dma_wait3A_147 = tpu.memref_slice %arg17[%arg1, %dma_wait3A_145, %dma_wait3A_146] : memref<16x160x112xf32, #tpu.memory_space<vmem_shared>> -> memref<1x160x112xf32, #tpu.memory_space<vmem_shared>>
      %dma_wait3A_148 = tpu.memref_squeeze %dma_wait3A_147 : memref<1x160x112xf32, #tpu.memory_space<vmem_shared>> -> memref<160x112xf32, #tpu.memory_space<vmem_shared>>
      %dma_wait3A_149 = arith.constant 0 : i32
      %dma_wait3A_150 = arith.constant 0 : i32
      %dma_wait3A_151 = tpu.memref_slice %arg17[%arg1, %dma_wait3A_149, %dma_wait3A_150] : memref<16x160x112xf32, #tpu.memory_space<vmem_shared>> -> memref<1x160x112xf32, #tpu.memory_space<vmem_shared>>
      %dma_wait3A_152 = tpu.memref_squeeze %dma_wait3A_151 : memref<1x160x112xf32, #tpu.memory_space<vmem_shared>> -> memref<160x112xf32, #tpu.memory_space<vmem_shared>>
      tpu.wait_dma2 semaphore(%run_scoped3A : memref<!tpu.dma_semaphore, #tpu.memory_space<semaphore_mem>>) src(%arg14 : memref<160x112xf32, #tpu.memory_space<vmem>>) dst(%dma_wait3A_152 : memref<160x112xf32, #tpu.memory_space<vmem_shared>>)
      tpu.yield
    }) : () -> ()
    %barrier3A = arith.constant 0 : index
    tpu.barrier barrier_id(%barrier3A)
    %mul3A_120 = arith.constant 20 : i32
    %mul3A_121 = arith.muli %select_n3A_30, %mul3A_120 : i32
    %scan3A_122 = arith.constant 0 : i32
    %scan3A_123 = arith.constant 20 : i32
    %scan3A_124 = arith.addi %scan3A_122, %scan3A_123 : i32
    %scan3A_125 = arith.constant 1 : i32
    scf.for %scan3A_137 = %scan3A_122 to %scan3A_124 step %scan3A_125  : i32 {
      %mul3A_138 = arith.constant 1 : i32
      %mul3A_139 = arith.muli %scan3A_137, %mul3A_138 : i32
      %add3A_140 = arith.constant 0 : i32
      %add3A_141 = arith.addi %add3A_140, %mul3A_139 : i32
      %broadcast_in_dim3A_142 = arith.constant 0.000000e+00 : f32
      %broadcast_in_dim3A_143 = vector.broadcast %broadcast_in_dim3A_142 : f32 to vector<16xf32>
      %swap3A = arith.index_cast %add3A_141 : i32 to index
      %swap3A_144 = arith.constant 0 : index
      %swap3A_145 = tpu.vector_load %arg16[%swap3A, %swap3A_144] {strides = array<i32>} : memref<20x112xf32, #tpu.memory_space<vmem>>, vector<16xf32>,
      tpu.vector_store %arg16[%swap3A, %swap3A_144], %broadcast_in_dim3A_143 {strides = array<i32>} : memref<20x112xf32, #tpu.memory_space<vmem>>, vector<16xf32>,
      %broadcast_in_dim3A_146 = arith.constant 0.000000e+00 : f32
      %broadcast_in_dim3A_147 = vector.broadcast %broadcast_in_dim3A_146 : f32 to vector<16xf32>
      %swap3A_148 = arith.index_cast %add3A_141 : i32 to index
      %swap3A_149 = arith.constant 16 : index
      %swap3A_150 = tpu.vector_load %arg16[%swap3A_148, %swap3A_149] {strides = array<i32>} : memref<20x112xf32, #tpu.memory_space<vmem>>, vector<16xf32>,
      tpu.vector_store %arg16[%swap3A_148, %swap3A_149], %broadcast_in_dim3A_147 {strides = array<i32>} : memref<20x112xf32, #tpu.memory_space<vmem>>, vector<16xf32>,
      %broadcast_in_dim3A_151 = arith.constant 0.000000e+00 : f32
      %broadcast_in_dim3A_152 = vector.broadcast %broadcast_in_dim3A_151 : f32 to vector<16xf32>
      %swap3A_153 = arith.index_cast %add3A_141 : i32 to index
      %swap3A_154 = arith.constant 32 : index
      %swap3A_155 = tpu.vector_load %arg16[%swap3A_153, %swap3A_154] {strides = array<i32>} : memref<20x112xf32, #tpu.memory_space<vmem>>, vector<16xf32>,
      tpu.vector_store %arg16[%swap3A_153, %swap3A_154], %broadcast_in_dim3A_152 {strides = array<i32>} : memref<20x112xf32, #tpu.memory_space<vmem>>, vector<16xf32>,
      %broadcast_in_dim3A_156 = arith.constant 0.000000e+00 : f32
      %broadcast_in_dim3A_157 = vector.broadcast %broadcast_in_dim3A_156 : f32 to vector<16xf32>
      %swap3A_158 = arith.index_cast %add3A_141 : i32 to index
      %swap3A_159 = arith.constant 48 : index
      %swap3A_160 = tpu.vector_load %arg16[%swap3A_158, %swap3A_159] {strides = array<i32>} : memref<20x112xf32, #tpu.memory_space<vmem>>, vector<16xf32>,
      tpu.vector_store %arg16[%swap3A_158, %swap3A_159], %broadcast_in_dim3A_157 {strides = array<i32>} : memref<20x112xf32, #tpu.memory_space<vmem>>, vector<16xf32>,
      %broadcast_in_dim3A_161 = arith.constant 0.000000e+00 : f32
      %broadcast_in_dim3A_162 = vector.broadcast %broadcast_in_dim3A_161 : f32 to vector<16xf32>
      %swap3A_163 = arith.index_cast %add3A_141 : i32 to index
      %swap3A_164 = arith.constant 64 : index
      %swap3A_165 = tpu.vector_load %arg16[%swap3A_163, %swap3A_164] {strides = array<i32>} : memref<20x112xf32, #tpu.memory_space<vmem>>, vector<16xf32>,
      tpu.vector_store %arg16[%swap3A_163, %swap3A_164], %broadcast_in_dim3A_162 {strides = array<i32>} : memref<20x112xf32, #tpu.memory_space<vmem>>, vector<16xf32>,
      %broadcast_in_dim3A_166 = arith.constant 0.000000e+00 : f32
      %broadcast_in_dim3A_167 = vector.broadcast %broadcast_in_dim3A_166 : f32 to vector<16xf32>
      %swap3A_168 = arith.index_cast %add3A_141 : i32 to index
      %swap3A_169 = arith.constant 80 : index
      %swap3A_170 = tpu.vector_load %arg16[%swap3A_168, %swap3A_169] {strides = array<i32>} : memref<20x112xf32, #tpu.memory_space<vmem>>, vector<16xf32>,
      tpu.vector_store %arg16[%swap3A_168, %swap3A_169], %broadcast_in_dim3A_167 {strides = array<i32>} : memref<20x112xf32, #tpu.memory_space<vmem>>, vector<16xf32>,
      %broadcast_in_dim3A_171 = arith.constant 0.000000e+00 : f32
      %broadcast_in_dim3A_172 = vector.broadcast %broadcast_in_dim3A_171 : f32 to vector<16xf32>
      %swap3A_173 = arith.index_cast %add3A_141 : i32 to index
      %swap3A_174 = arith.constant 96 : index
      %swap3A_175 = tpu.vector_load %arg16[%swap3A_173, %swap3A_174] {strides = array<i32>} : memref<20x112xf32, #tpu.memory_space<vmem>>, vector<16xf32>,
      tpu.vector_store %arg16[%swap3A_173, %swap3A_174], %broadcast_in_dim3A_172 {strides = array<i32>} : memref<20x112xf32, #tpu.memory_space<vmem>>, vector<16xf32>,
    }
    %scan3A_126 = arith.constant 20 : i32
    %scan3A_127 = arith.constant 0 : i32
    %scan3A_128 = arith.constant 8 : i32
    %scan3A_129 = arith.addi %scan3A_127, %scan3A_128 : i32
    %scan3A_130 = arith.constant 1 : i32
    scf.for %scan3A_137 = %scan3A_127 to %scan3A_129 step %scan3A_130  : i32 {
      %mul3A_138 = arith.constant 1 : i32
      %mul3A_139 = arith.muli %scan3A_137, %mul3A_138 : i32
      %add3A_140 = arith.constant 0 : i32
      %add3A_141 = arith.addi %add3A_140, %mul3A_139 : i32
      %add3A_142 = arith.addi %sub3A_31, %add3A_141 : i32
      "tpu.region"() ({
        %run_scoped3A = tpu.sem_alloc : memref<!tpu.dma_semaphore, #tpu.memory_space<semaphore_mem>>
        %dma_start3A_148 = arith.constant 0 : i32
        %dma_start3A_149 = tpu.memref_slice %arg17[%add3A_142, %mul3A_121, %dma_start3A_148] : memref<16x160x112xf32, #tpu.memory_space<vmem_shared>> -> memref<1x20x112xf32, #tpu.memory_space<vmem_shared>>
        %dma_start3A_150 = tpu.memref_squeeze %dma_start3A_149 : memref<1x20x112xf32, #tpu.memory_space<vmem_shared>> -> memref<20x112xf32, #tpu.memory_space<vmem_shared>>
        %dma_start3A_151 = arith.constant 0 : i32
        %dma_start3A_152 = tpu.memref_slice %arg17[%add3A_142, %mul3A_121, %dma_start3A_151] : memref<16x160x112xf32, #tpu.memory_space<vmem_shared>> -> memref<1x20x112xf32, #tpu.memory_space<vmem_shared>>
        %dma_start3A_153 = tpu.memref_squeeze %dma_start3A_152 : memref<1x20x112xf32, #tpu.memory_space<vmem_shared>> -> memref<20x112xf32, #tpu.memory_space<vmem_shared>>
        tpu.enqueue_dma source(%dma_start3A_153 : memref<20x112xf32, #tpu.memory_space<vmem_shared>>) target(%arg15 : memref<20x112xf32, #tpu.memory_space<vmem>>) target_semaphore(%run_scoped3A : memref<!tpu.dma_semaphore, #tpu.memory_space<semaphore_mem>>)
        %dma_wait3A_154 = arith.constant 0 : i32
        %dma_wait3A_155 = tpu.memref_slice %arg17[%add3A_142, %mul3A_121, %dma_wait3A_154] : memref<16x160x112xf32, #tpu.memory_space<vmem_shared>> -> memref<1x20x112xf32, #tpu.memory_space<vmem_shared>>
        %dma_wait3A_156 = tpu.memref_squeeze %dma_wait3A_155 : memref<1x20x112xf32, #tpu.memory_space<vmem_shared>> -> memref<20x112xf32, #tpu.memory_space<vmem_shared>>
        %dma_wait3A_157 = arith.constant 0 : i32
        %dma_wait3A_158 = tpu.memref_slice %arg17[%add3A_142, %mul3A_121, %dma_wait3A_157] : memref<16x160x112xf32, #tpu.memory_space<vmem_shared>> -> memref<1x20x112xf32, #tpu.memory_space<vmem_shared>>
        %dma_wait3A_159 = tpu.memref_squeeze %dma_wait3A_158 : memref<1x20x112xf32, #tpu.memory_space<vmem_shared>> -> memref<20x112xf32, #tpu.memory_space<vmem_shared>>
        tpu.wait_dma2 semaphore(%run_scoped3A : memref<!tpu.dma_semaphore, #tpu.memory_space<semaphore_mem>>) src(%dma_wait3A_159 : memref<20x112xf32, #tpu.memory_space<vmem_shared>>) dst(%arg15 : memref<20x112xf32, #tpu.memory_space<vmem>>)
        tpu.yield
      }) : () -> ()
      %scan3A_143 = arith.constant 0 : i32
      %scan3A_144 = arith.constant 20 : i32
      %scan3A_145 = arith.addi %scan3A_143, %scan3A_144 : i32
      %scan3A_146 = arith.constant 1 : i32
      scf.for %scan3A_148 = %scan3A_143 to %scan3A_145 step %scan3A_146  : i32 {
        %mul3A_149 = arith.constant 1 : i32
        %mul3A_150 = arith.muli %scan3A_148, %mul3A_149 : i32
        %add3A_151 = arith.constant 0 : i32
        %add3A_152 = arith.addi %add3A_151, %mul3A_150 : i32
        %get3A_153 = arith.index_cast %add3A_152 : i32 to index
        %get3A_154 = arith.constant 0 : index
        %get3A_155 = tpu.vector_load %arg16[%get3A_153, %get3A_154] {strides = array<i32>} : memref<20x112xf32, #tpu.memory_space<vmem>>, vector<16xf32>,
        %get3A_156 = arith.index_cast %add3A_152 : i32 to index
        %get3A_157 = arith.constant 0 : index
        %get3A_158 = tpu.vector_load %arg15[%get3A_156, %get3A_157] {strides = array<i32>} : memref<20x112xf32, #tpu.memory_space<vmem>>, vector<16xf32>,
        %add3A_159 = arith.addf %get3A_155, %get3A_158 : vector<16xf32>
        %swap3A = arith.index_cast %add3A_152 : i32 to index
        %swap3A_160 = arith.constant 0 : index
        %swap3A_161 = tpu.vector_load %arg16[%swap3A, %swap3A_160] {strides = array<i32>} : memref<20x112xf32, #tpu.memory_space<vmem>>, vector<16xf32>,
        tpu.vector_store %arg16[%swap3A, %swap3A_160], %add3A_159 {strides = array<i32>} : memref<20x112xf32, #tpu.memory_space<vmem>>, vector<16xf32>,
        %get3A_162 = arith.index_cast %add3A_152 : i32 to index
        %get3A_163 = arith.constant 16 : index
        %get3A_164 = tpu.vector_load %arg16[%get3A_162, %get3A_163] {strides = array<i32>} : memref<20x112xf32, #tpu.memory_space<vmem>>, vector<16xf32>,
        %get3A_165 = arith.index_cast %add3A_152 : i32 to index
        %get3A_166 = arith.constant 16 : index
        %get3A_167 = tpu.vector_load %arg15[%get3A_165, %get3A_166] {strides = array<i32>} : memref<20x112xf32, #tpu.memory_space<vmem>>, vector<16xf32>,
        %add3A_168 = arith.addf %get3A_164, %get3A_167 : vector<16xf32>
        %swap3A_169 = arith.index_cast %add3A_152 : i32 to index
        %swap3A_170 = arith.constant 16 : index
        %swap3A_171 = tpu.vector_load %arg16[%swap3A_169, %swap3A_170] {strides = array<i32>} : memref<20x112xf32, #tpu.memory_space<vmem>>, vector<16xf32>,
        tpu.vector_store %arg16[%swap3A_169, %swap3A_170], %add3A_168 {strides = array<i32>} : memref<20x112xf32, #tpu.memory_space<vmem>>, vector<16xf32>,
        %get3A_172 = arith.index_cast %add3A_152 : i32 to index
        %get3A_173 = arith.constant 32 : index
        %get3A_174 = tpu.vector_load %arg16[%get3A_172, %get3A_173] {strides = array<i32>} : memref<20x112xf32, #tpu.memory_space<vmem>>, vector<16xf32>,
        %get3A_175 = arith.index_cast %add3A_152 : i32 to index
        %get3A_176 = arith.constant 32 : index
        %get3A_177 = tpu.vector_load %arg15[%get3A_175, %get3A_176] {strides = array<i32>} : memref<20x112xf32, #tpu.memory_space<vmem>>, vector<16xf32>,
        %add3A_178 = arith.addf %get3A_174, %get3A_177 : vector<16xf32>
        %swap3A_179 = arith.index_cast %add3A_152 : i32 to index
        %swap3A_180 = arith.constant 32 : index
        %swap3A_181 = tpu.vector_load %arg16[%swap3A_179, %swap3A_180] {strides = array<i32>} : memref<20x112xf32, #tpu.memory_space<vmem>>, vector<16xf32>,
        tpu.vector_store %arg16[%swap3A_179, %swap3A_180], %add3A_178 {strides = array<i32>} : memref<20x112xf32, #tpu.memory_space<vmem>>, vector<16xf32>,
        %get3A_182 = arith.index_cast %add3A_152 : i32 to index
        %get3A_183 = arith.constant 48 : index
        %get3A_184 = tpu.vector_load %arg16[%get3A_182, %get3A_183] {strides = array<i32>} : memref<20x112xf32, #tpu.memory_space<vmem>>, vector<16xf32>,
        %get3A_185 = arith.index_cast %add3A_152 : i32 to index
        %get3A_186 = arith.constant 48 : index
        %get3A_187 = tpu.vector_load %arg15[%get3A_185, %get3A_186] {strides = array<i32>} : memref<20x112xf32, #tpu.memory_space<vmem>>, vector<16xf32>,
        %add3A_188 = arith.addf %get3A_184, %get3A_187 : vector<16xf32>
        %swap3A_189 = arith.index_cast %add3A_152 : i32 to index
        %swap3A_190 = arith.constant 48 : index
        %swap3A_191 = tpu.vector_load %arg16[%swap3A_189, %swap3A_190] {strides = array<i32>} : memref<20x112xf32, #tpu.memory_space<vmem>>, vector<16xf32>,
        tpu.vector_store %arg16[%swap3A_189, %swap3A_190], %add3A_188 {strides = array<i32>} : memref<20x112xf32, #tpu.memory_space<vmem>>, vector<16xf32>,
        %get3A_192 = arith.index_cast %add3A_152 : i32 to index
        %get3A_193 = arith.constant 64 : index
        %get3A_194 = tpu.vector_load %arg16[%get3A_192, %get3A_193] {strides = array<i32>} : memref<20x112xf32, #tpu.memory_space<vmem>>, vector<16xf32>,
        %get3A_195 = arith.index_cast %add3A_152 : i32 to index
        %get3A_196 = arith.constant 64 : index
        %get3A_197 = tpu.vector_load %arg15[%get3A_195, %get3A_196] {strides = array<i32>} : memref<20x112xf32, #tpu.memory_space<vmem>>, vector<16xf32>,
        %add3A_198 = arith.addf %get3A_194, %get3A_197 : vector<16xf32>
        %swap3A_199 = arith.index_cast %add3A_152 : i32 to index
        %swap3A_200 = arith.constant 64 : index
        %swap3A_201 = tpu.vector_load %arg16[%swap3A_199, %swap3A_200] {strides = array<i32>} : memref<20x112xf32, #tpu.memory_space<vmem>>, vector<16xf32>,
        tpu.vector_store %arg16[%swap3A_199, %swap3A_200], %add3A_198 {strides = array<i32>} : memref<20x112xf32, #tpu.memory_space<vmem>>, vector<16xf32>,
        %get3A_202 = arith.index_cast %add3A_152 : i32 to index
        %get3A_203 = arith.constant 80 : index
        %get3A_204 = tpu.vector_load %arg16[%get3A_202, %get3A_203] {strides = array<i32>} : memref<20x112xf32, #tpu.memory_space<vmem>>, vector<16xf32>,
        %get3A_205 = arith.index_cast %add3A_152 : i32 to index
        %get3A_206 = arith.constant 80 : index
        %get3A_207 = tpu.vector_load %arg15[%get3A_205, %get3A_206] {strides = array<i32>} : memref<20x112xf32, #tpu.memory_space<vmem>>, vector<16xf32>,
        %add3A_208 = arith.addf %get3A_204, %get3A_207 : vector<16xf32>
        %swap3A_209 = arith.index_cast %add3A_152 : i32 to index
        %swap3A_210 = arith.constant 80 : index
        %swap3A_211 = tpu.vector_load %arg16[%swap3A_209, %swap3A_210] {strides = array<i32>} : memref<20x112xf32, #tpu.memory_space<vmem>>, vector<16xf32>,
        tpu.vector_store %arg16[%swap3A_209, %swap3A_210], %add3A_208 {strides = array<i32>} : memref<20x112xf32, #tpu.memory_space<vmem>>, vector<16xf32>,
        %get3A_212 = arith.index_cast %add3A_152 : i32 to index
        %get3A_213 = arith.constant 96 : index
        %get3A_214 = tpu.vector_load %arg16[%get3A_212, %get3A_213] {strides = array<i32>} : memref<20x112xf32, #tpu.memory_space<vmem>>, vector<16xf32>,
        %get3A_215 = arith.index_cast %add3A_152 : i32 to index
        %get3A_216 = arith.constant 96 : index
        %get3A_217 = tpu.vector_load %arg15[%get3A_215, %get3A_216] {strides = array<i32>} : memref<20x112xf32, #tpu.memory_space<vmem>>, vector<16xf32>,
        %add3A_218 = arith.addf %get3A_214, %get3A_217 : vector<16xf32>
        %swap3A_219 = arith.index_cast %add3A_152 : i32 to index
        %swap3A_220 = arith.constant 96 : index
        %swap3A_221 = tpu.vector_load %arg16[%swap3A_219, %swap3A_220] {strides = array<i32>} : memref<20x112xf32, #tpu.memory_space<vmem>>, vector<16xf32>,
        tpu.vector_store %arg16[%swap3A_219, %swap3A_220], %add3A_218 {strides = array<i32>} : memref<20x112xf32, #tpu.memory_space<vmem>>, vector<16xf32>,
      }
      %scan3A_147 = arith.constant 20 : i32
    }
    %scan3A_131 = arith.constant 8 : i32
    %scan3A_132 = arith.constant 0 : i32
    %scan3A_133 = arith.constant 20 : i32
    %scan3A_134 = arith.addi %scan3A_132, %scan3A_133 : i32
    %scan3A_135 = arith.constant 1 : i32
    scf.for %scan3A_137 = %scan3A_132 to %scan3A_134 step %scan3A_135  : i32 {
      %mul3A_138 = arith.constant 1 : i32
      %mul3A_139 = arith.muli %scan3A_137, %mul3A_138 : i32
      %add3A_140 = arith.constant 0 : i32
      %add3A_141 = arith.addi %add3A_140, %mul3A_139 : i32
      %add3A_142 = arith.addi %mul3A_121, %add3A_141 : i32
      %broadcast_in_dim3A_143 = vector.broadcast %add3A_142 : i32 to vector<16xi32>
      %gather3A = tpu.vector_load_idx %arg13[%broadcast_in_dim3A_143] : memref<160xf32, #tpu.memory_space<vmem>>[vector<16xi32>], vector<16xf32>,
      %get3A_144 = arith.index_cast %add3A_141 : i32 to index
      %get3A_145 = arith.constant 0 : index
      %get3A_146 = tpu.vector_load %arg16[%get3A_144, %get3A_145] {strides = array<i32>} : memref<20x112xf32, #tpu.memory_space<vmem>>, vector<16xf32>,
      %mul3A_147 = arith.mulf %get3A_146, %gather3A : vector<16xf32>
      %swap3A = arith.index_cast %add3A_141 : i32 to index
      %swap3A_148 = arith.constant 0 : index
      %swap3A_149 = tpu.vector_load %arg16[%swap3A, %swap3A_148] {strides = array<i32>} : memref<20x112xf32, #tpu.memory_space<vmem>>, vector<16xf32>,
      tpu.vector_store %arg16[%swap3A, %swap3A_148], %mul3A_147 {strides = array<i32>} : memref<20x112xf32, #tpu.memory_space<vmem>>, vector<16xf32>,
      %get3A_150 = arith.index_cast %add3A_141 : i32 to index
      %get3A_151 = arith.constant 16 : index
      %get3A_152 = tpu.vector_load %arg16[%get3A_150, %get3A_151] {strides = array<i32>} : memref<20x112xf32, #tpu.memory_space<vmem>>, vector<16xf32>,
      %mul3A_153 = arith.mulf %get3A_152, %gather3A : vector<16xf32>
      %swap3A_154 = arith.index_cast %add3A_141 : i32 to index
      %swap3A_155 = arith.constant 16 : index
      %swap3A_156 = tpu.vector_load %arg16[%swap3A_154, %swap3A_155] {strides = array<i32>} : memref<20x112xf32, #tpu.memory_space<vmem>>, vector<16xf32>,
      tpu.vector_store %arg16[%swap3A_154, %swap3A_155], %mul3A_153 {strides = array<i32>} : memref<20x112xf32, #tpu.memory_space<vmem>>, vector<16xf32>,
      %get3A_157 = arith.index_cast %add3A_141 : i32 to index
      %get3A_158 = arith.constant 32 : index
      %get3A_159 = tpu.vector_load %arg16[%get3A_157, %get3A_158] {strides = array<i32>} : memref<20x112xf32, #tpu.memory_space<vmem>>, vector<16xf32>,
      %mul3A_160 = arith.mulf %get3A_159, %gather3A : vector<16xf32>
      %swap3A_161 = arith.index_cast %add3A_141 : i32 to index
      %swap3A_162 = arith.constant 32 : index
      %swap3A_163 = tpu.vector_load %arg16[%swap3A_161, %swap3A_162] {strides = array<i32>} : memref<20x112xf32, #tpu.memory_space<vmem>>, vector<16xf32>,
      tpu.vector_store %arg16[%swap3A_161, %swap3A_162], %mul3A_160 {strides = array<i32>} : memref<20x112xf32, #tpu.memory_space<vmem>>, vector<16xf32>,
      %get3A_164 = arith.index_cast %add3A_141 : i32 to index
      %get3A_165 = arith.constant 48 : index
      %get3A_166 = tpu.vector_load %arg16[%get3A_164, %get3A_165] {strides = array<i32>} : memref<20x112xf32, #tpu.memory_space<vmem>>, vector<16xf32>,
      %mul3A_167 = arith.mulf %get3A_166, %gather3A : vector<16xf32>
      %swap3A_168 = arith.index_cast %add3A_141 : i32 to index
      %swap3A_169 = arith.constant 48 : index
      %swap3A_170 = tpu.vector_load %arg16[%swap3A_168, %swap3A_169] {strides = array<i32>} : memref<20x112xf32, #tpu.memory_space<vmem>>, vector<16xf32>,
      tpu.vector_store %arg16[%swap3A_168, %swap3A_169], %mul3A_167 {strides = array<i32>} : memref<20x112xf32, #tpu.memory_space<vmem>>, vector<16xf32>,
      %get3A_171 = arith.index_cast %add3A_141 : i32 to index
      %get3A_172 = arith.constant 64 : index
      %get3A_173 = tpu.vector_load %arg16[%get3A_171, %get3A_172] {strides = array<i32>} : memref<20x112xf32, #tpu.memory_space<vmem>>, vector<16xf32>,
      %mul3A_174 = arith.mulf %get3A_173, %gather3A : vector<16xf32>
      %swap3A_175 = arith.index_cast %add3A_141 : i32 to index
      %swap3A_176 = arith.constant 64 : index
      %swap3A_177 = tpu.vector_load %arg16[%swap3A_175, %swap3A_176] {strides = array<i32>} : memref<20x112xf32, #tpu.memory_space<vmem>>, vector<16xf32>,
      tpu.vector_store %arg16[%swap3A_175, %swap3A_176], %mul3A_174 {strides = array<i32>} : memref<20x112xf32, #tpu.memory_space<vmem>>, vector<16xf32>,
      %get3A_178 = arith.index_cast %add3A_141 : i32 to index
      %get3A_179 = arith.constant 80 : index
      %get3A_180 = tpu.vector_load %arg16[%get3A_178, %get3A_179] {strides = array<i32>} : memref<20x112xf32, #tpu.memory_space<vmem>>, vector<16xf32>,
      %mul3A_181 = arith.mulf %get3A_180, %gather3A : vector<16xf32>
      %swap3A_182 = arith.index_cast %add3A_141 : i32 to index
      %swap3A_183 = arith.constant 80 : index
      %swap3A_184 = tpu.vector_load %arg16[%swap3A_182, %swap3A_183] {strides = array<i32>} : memref<20x112xf32, #tpu.memory_space<vmem>>, vector<16xf32>,
      tpu.vector_store %arg16[%swap3A_182, %swap3A_183], %mul3A_181 {strides = array<i32>} : memref<20x112xf32, #tpu.memory_space<vmem>>, vector<16xf32>,
      %get3A_185 = arith.index_cast %add3A_141 : i32 to index
      %get3A_186 = arith.constant 96 : index
      %get3A_187 = tpu.vector_load %arg16[%get3A_185, %get3A_186] {strides = array<i32>} : memref<20x112xf32, #tpu.memory_space<vmem>>, vector<16xf32>,
      %mul3A_188 = arith.mulf %get3A_187, %gather3A : vector<16xf32>
      %swap3A_189 = arith.index_cast %add3A_141 : i32 to index
      %swap3A_190 = arith.constant 96 : index
      %swap3A_191 = tpu.vector_load %arg16[%swap3A_189, %swap3A_190] {strides = array<i32>} : memref<20x112xf32, #tpu.memory_space<vmem>>, vector<16xf32>,
      tpu.vector_store %arg16[%swap3A_189, %swap3A_190], %mul3A_188 {strides = array<i32>} : memref<20x112xf32, #tpu.memory_space<vmem>>, vector<16xf32>,
    }
    %scan3A_136 = arith.constant 20 : i32
    "tpu.region"() ({
      %run_scoped3A = tpu.sem_alloc : memref<!tpu.dma_semaphore, #tpu.memory_space<semaphore_mem>>
      %dma_start3A_137 = arith.constant 0 : i32
      %dma_start3A_138 = tpu.memref_slice %arg6[%add3A, %mul3A_121, %dma_start3A_137] : memref<4x160x112xf32, #tpu.memory_space<hbm>> -> memref<1x20x112xf32, #tpu.memory_space<hbm>>
      %dma_start3A_139 = tpu.memref_squeeze %dma_start3A_138 : memref<1x20x112xf32, #tpu.memory_space<hbm>> -> memref<20x112xf32, #tpu.memory_space<hbm>>
      %dma_start3A_140 = arith.constant 0 : i32
      %dma_start3A_141 = tpu.memref_slice %arg6[%add3A, %mul3A_121, %dma_start3A_140] : memref<4x160x112xf32, #tpu.memory_space<hbm>> -> memref<1x20x112xf32, #tpu.memory_space<hbm>>
      %dma_start3A_142 = tpu.memref_squeeze %dma_start3A_141 : memref<1x20x112xf32, #tpu.memory_space<hbm>> -> memref<20x112xf32, #tpu.memory_space<hbm>>
      tpu.enqueue_dma source(%arg16 : memref<20x112xf32, #tpu.memory_space<vmem>>) target(%dma_start3A_142 : memref<20x112xf32, #tpu.memory_space<hbm>>) target_semaphore(%run_scoped3A : memref<!tpu.dma_semaphore, #tpu.memory_space<semaphore_mem>>)
      %dma_wait3A_143 = arith.constant 0 : i32
      %dma_wait3A_144 = tpu.memref_slice %arg6[%add3A, %mul3A_121, %dma_wait3A_143] : memref<4x160x112xf32, #tpu.memory_space<hbm>> -> memref<1x20x112xf32, #tpu.memory_space<hbm>>
      %dma_wait3A_145 = tpu.memref_squeeze %dma_wait3A_144 : memref<1x20x112xf32, #tpu.memory_space<hbm>> -> memref<20x112xf32, #tpu.memory_space<hbm>>
      %dma_wait3A_146 = arith.constant 0 : i32
      %dma_wait3A_147 = tpu.memref_slice %arg6[%add3A, %mul3A_121, %dma_wait3A_146] : memref<4x160x112xf32, #tpu.memory_space<hbm>> -> memref<1x20x112xf32, #tpu.memory_space<hbm>>
      %dma_wait3A_148 = tpu.memref_squeeze %dma_wait3A_147 : memref<1x20x112xf32, #tpu.memory_space<hbm>> -> memref<20x112xf32, #tpu.memory_space<hbm>>
      tpu.wait_dma2 semaphore(%run_scoped3A : memref<!tpu.dma_semaphore, #tpu.memory_space<semaphore_mem>>) src(%arg16 : memref<20x112xf32, #tpu.memory_space<vmem>>) dst(%dma_wait3A_148 : memref<20x112xf32, #tpu.memory_space<hbm>>)
      tpu.yield
    }) : () -> ()
    return
  }
}

</mosaic_0001>

<sc_bundles>
// kernel: kernel.4.cloned.1.call-start
scs
__scs_entry_jumppad:
0x0: {  	(pc) =	sbr.rel $0x88, $3  }
0x1: {  	(tag) =	ssettag $0x0;
	lr =	simm.s32 $0x1  }
0x2: {  	[smem:$0x3FA0] =	sst lr;
	_ =	strace $0xD0000000  }
0x3: {  	_ = 	snop  }
0x4: {  	_ = 	snop  }
0x5: {  	_ = 	snop  }
0x6: {  	_ = 	snop  }
0x7: {  	_ = 	snop  }
__scs_overlays_trampoline_lowered:
0x8: {  	[smem:$0x3FAF] =	sst s0  }
0x9: {  	[smem:$0x3FB0] =	sst s1  }
0xa: {  	[smem:$0x3FB1] =	sst s2  }
0xb: {  	[smem:$0x3FB2] =	sst s3  }
0xc: {  	[smem:$0x3FB3] =	sst s4  }
0xd: {  	[smem:$0x3FB4] =	sst s5  }
0xe: {  	[smem:$0x3FB5] =	sst s6  }
0xf: {  	[smem:$0x3FB6] =	sst s7  }
0x10: {  	[smem:$0x3FB7] =	sst s8  }
0x11: {  	[smem:$0x3FB8] =	sst s9;
	s0 =	simm.s32 @!p0 $0x0  }
0x12: {  	s1 =	sld [smem:$0x3F9E];
	s0 =	simm.s32 @p0 $0x1  }
0x13: {  	[smem:$0x3FB9] =	sst s0;
	s0 =	simm.s32 @!p1 $0x0  }
0x14: {  	s2 =	sld [smem:$0x3F9D];
	s0 =	simm.s32 @p1 $0x1  }
0x15: {  	[smem:$0x3FBA] =	sst s0;
	s0 =	simm.s32 @!p2 $0x0  }
0x16: {  	s3 =	sld [smem:$0x3FDB];
	s0 =	simm.s32 @p2 $0x1  }
0x17: {  	s4 =	simm.s32 $0x1BF5;
	[smem:$0x3FBC] =	sst s0  }
0x18: {  	s0 =	sld [smem:$0x3F9F];
	_ =	swait.ge [sflag:s4], $0x0  }
0x19: {  	s7 =	sld [smem:$0x3FA0]  }
0x1a: {  	s8 =	sadd.s32 $0xFFFFE003, lr  }
0x1b: {  	s9 =	sadd.s32 $0xFFFFFEF7, lr;
	s5 =	simm.s32 $0xFFFFFFFF;
	p2 =	slt.u32 s8, $0xFFFFF086  }
0x1c: {  	p1 =	slt.u32 s9, $0xF7A;
	s5 =	simm.s32 @!p2 $0x0  }
0x1d: {  	s5 =	simm.s32 @p1 $0x1;
	p0 =	seq.s32 s7, s2  }
0x1e: {  	s7 =	smul.u32 @!p0 $0xF7A, s2;
	p2 =	seq.s32 @!p0 s5, $0x0  }
0x1f: {  	s9 =	smul.u32 $0xF7A, s1;
	s8 =	simm.s32 @!p0 $0x1BF5;
	p2 =	por !p2, p0  }
0x20: {  	[sflag:s8] =	ssyncset.s32 @!p0 $0xFFFFF086;
	s6 =	sadd.s32 @!p0 s3, s7;
	s7 =	simm.s32 @!p0 $0x108  }
0x21: {  	s3 =	sadd.s32 s3, s9;
	s6 =	sadd.s32 @!p0 $0x88, s6;
	s7 =	simm.s32 @p2 $0x1082  }
0x22: {  	[simem:s7], [sflag:s8] =	dma.local @!p0 [hbm:s6], $0xF7A  }
0x23: {  	s9 =	sor.u32 $0xD0000000, s2;
	s6 =	simm.s32 $0x108;
	_ =	swait.ge @!p0 [sflag:s8], $0x0  }
0x24: {  	s3 =	sadd.s32 $0x88, s3;
	s6 =	simm.s32 @!p1 $0x1082;
	[sflag:s4] =	ssyncset.s32 $0xFFFFF086  }
0x25: {  	[simem:s6], [sflag:s4] =	dma.local [hbm:s3], $0xF7A  }
0x26: {  	[smem:$0x3FA0] =	sst s1;
	(tag) =	ssettag s2;
	_ =	strace s9  }
0x27: {  	s1 =	sld [smem:$0x3FB0]  }
0x28: {  	s2 =	sld [smem:$0x3FB1]  }
0x29: {  	s4 =	sld [smem:$0x3FB3]  }
0x2a: {  	p0 =	seq.s32 s5, $0x0;
	s5 =	sld [smem:$0x3FB4]  }
0x2b: {  	s6 =	sld [smem:$0x3FB5]  }
0x2c: {  	s7 =	sld [smem:$0x3FB6]  }
0x2d: {  	s3 =	simm.s32 $0x108;
	s8 =	sld [smem:$0x3FB7]  }
0x2e: {  	s3 =	simm.s32 @!p0 $0x1082;
	s9 =	sld [smem:$0x3FB8]  }
0x2f: {  	lr =	sadd.s32 s0, s3;
	s0 =	sld [smem:$0x3FAF]  }
0x30: {  	s3 =	sld [smem:$0x3FB2]  }
0x31: {  	[smem:$0x3FBB] =	sst s10  }
0x32: {  	s10 =	sld [smem:$0x3FB9];
	_ =	sdelay $0x3  }
0x33: {  	p0 =	seq.s32 s10, $0x1;
	s10 =	sld [smem:$0x3FBB];
	_ =	sdelay $0x3  }
0x34: {  	[smem:$0x3FBB] =	sst s10  }
0x35: {  	s10 =	sld [smem:$0x3FBA];
	_ =	sdelay $0x3  }
0x36: {  	p1 =	seq.s32 s10, $0x1;
	s10 =	sld [smem:$0x3FBB];
	_ =	sdelay $0x3  }
0x37: {  	[smem:$0x3FBB] =	sst s10  }
0x38: {  	s10 =	sld [smem:$0x3FBC]  }
0x39: {  	_ = 	snop;
	(pc) =	sbr.ind lr, $3  }
0x3a: {  	_ = 	snop  }
0x3b: {  	_ = 	snop  }
0x3c: {  	p2 =	seq.s32 s10, $0x1;
	s10 =	sld [smem:$0x3FBB]  }
0x3d: {  	_ =	shalt  }
0x3e: {  	_ =	shalt  }
0x3f: {  	_ =	shalt  }
0x40: {  	_ =	shalt  }
0x41: {  	_ =	shalt  }
0x42: {  	_ =	shalt  }
0x43: {  	_ =	shalt  }
0x44: {  	_ =	shalt  }
0x45: {  	_ =	shalt  }
0x46: {  	_ =	shalt  }
0x47: {  	_ =	shalt  }
0x48: {  	_ =	shalt  }
0x49: {  	_ =	shalt  }
0x4a: {  	_ =	shalt  }
0x4b: {  	_ =	shalt  }
0x4c: {  	_ =	shalt  }
0x4d: {  	_ =	shalt  }
0x4e: {  	_ =	shalt  }
0x4f: {  	_ =	shalt  }
0x50: {  	_ =	shalt  }
0x51: {  	_ =	shalt  }
0x52: {  	_ =	shalt  }
0x53: {  	_ =	shalt  }
0x54: {  	_ =	shalt  }
0x55: {  	_ =	shalt  }
0x56: {  	_ =	shalt  }
0x57: {  	_ =	shalt  }
0x58: {  	_ =	shalt  }
0x59: {  	_ =	shalt  }
0x5a: {  	_ =	shalt  }
0x5b: {  	_ =	shalt  }
0x5c: {  	_ =	shalt  }
0x5d: {  	_ =	shalt  }
0x5e: {  	_ =	shalt  }
0x5f: {  	_ =	shalt  }
0x60: {  	_ =	shalt  }
0x61: {  	_ =	shalt  }
0x62: {  	_ =	shalt  }
0x63: {  	_ =	shalt  }
0x64: {  	_ =	shalt  }
0x65: {  	_ =	shalt  }
0x66: {  	_ =	shalt  }
0x67: {  	_ =	shalt  }
0x68: {  	_ =	shalt  }
0x69: {  	_ =	shalt  }
0x6a: {  	_ =	shalt  }
0x6b: {  	_ =	shalt  }
0x6c: {  	_ =	shalt  }
0x6d: {  	_ =	shalt  }
0x6e: {  	_ =	shalt  }
0x6f: {  	_ =	shalt  }
0x70: {  	_ =	shalt  }
0x71: {  	_ =	shalt  }
0x72: {  	_ =	shalt  }
0x73: {  	_ =	shalt  }
0x74: {  	_ =	shalt  }
0x75: {  	_ =	shalt  }
0x76: {  	_ =	shalt  }
0x77: {  	_ =	shalt  }
0x78: {  	_ =	shalt  }
0x79: {  	_ =	shalt  }
0x7a: {  	_ =	shalt  }
0x7b: {  	_ =	shalt  }
0x7c: {  	_ =	shalt  }
0x7d: {  	_ =	shalt  }
0x7e: {  	_ =	shalt  }
0x7f: {  	_ =	shalt  }
0x80: {  	_ =	shalt  }
0x81: {  	_ =	shalt  }
0x82: {  	_ =	shalt  }
0x83: {  	_ =	shalt  }
0x84: {  	_ =	shalt  }
0x85: {  	_ =	shalt  }
0x86: {  	_ =	shalt  }
0x87: {  	_ =	shalt  }
.Lfunc_end0:
.L_simem_size_0:
called_computation_lowered:
.L_overlay_start_0:
0x88: {  	s2 =	sld [smem:$0x3FD9]  }
0x89: {  	s3 =	sld [smem:$0x3FFE];
	_ =	sdelay $0x1  }
0x8a: {  	s1 =	srdreg.scid  }
0x8b: {  	s0 =	sand.u32 $0x1, s1  }
0x8c: {  	s14 =	sshll.u32 s0, $0xA;
	s2 =	sadd.s32 s3, s2  }
0x8d: {  	s2 =	sadd.s32 s2, s14  }
0x8e: {  	[smem:$0x3FC7] =	sst s2  }
0x8f: {  	_ = 	snop  }
0x90: {  	s2 =	sld [smem:$0x3FD0];
	_ =	sdelay $0x2  }
0x91: {  	s15 =	simm.s32 $0xA;
	s4 =	simm.s32 $0x10  }
0x92: {  	[smem:s4], [sflag:s15] =	dma.local [hbm:s2], $0x1  }
0x93: {  	_ =	swait.eq [sflag:s15], $0x1  }
0x94: {  	[sflag:s15] =	ssyncset.done $0x0  }
0x95: {  	s16 =	sld [smem:$0x11];
	[sflag:s15] =	ssyncadd.s32 $0xFFFFFFFF  }
0x96: {  	s17 =	sld [smem:$0x12];
	(tm) =	ssettm $0x1  }
0x97: {  	s18 =	sld [smem:$0x3FFB];
	_ =	sdelay $0x3  }
0x98: {  	_ =	strace s18  }
0x99: {  	s4 =	sld [smem:$0x3FFC];
	_ =	sdelay $0x3  }
0x9a: {  	_ =	strace s4  }
0x9b: {  	s4 =	sld [smem:$0x3FFD];
	_ =	sdelay $0x3  }
0x9c: {  	_ =	strace s4  }
0x9d: {  	_ =	strace $0x8FFFFFFF  }
0x9e: {  	s19 =	sld [smem:$0x3FDB];
	_ =	sdelay $0x1  }
0x9f: {  	s5 =	simm.s32 $_scs_section_size  }
0xa0: {  	s6 =	simm.s32 $_size__tile_overlayer_lowered;
	s7 =	simm.s32 $_tile_overlayer_lowered  }
0xa1: {  	s22 =	simm.s32 $0x1BFF;
	s21 =	sshll.u32 s7, $0x1;
	s4 =	sadd.s32 s5, s19  }
0xa2: {  	s8 =	simm.s32 $0x0;
	s20 =	sshll.u32 s6, $0x1;
	s6 =	sadd.s32 s21, s4  }
0xa3: {  	[timem:s8], [sflag:s22] =	dma.local [hbm:s6], s20  }
0xa4: {  	_ =	swait.ge [sflag:s22], s20  }
0xa5: {  	s5 =	ssub.s32 $0x0, s20;
	[sflag:s22] =	ssyncset.done $0x0  }
0xa6: {  	[sflag:s22] =	ssyncadd.s32 s5;
	_ =	sdelay $0x1  }
0xa7: {  	s23 =	simm.s32 $0x1B8B  }
0xa8: {  	_ =	swait.ge [sflag:s23], $0x1  }
0xa9: {  	[sflag:s23] =	ssyncset.done $0x0  }
0xaa: {  	s25 =	simm.s32 $0x1B8E;
	s24 =	sld [smem:$0x3FFE];
	[sflag:s23] =	ssyncadd.s32 $0xFFFFFFFF  }
0xab: {  	s26 =	simm.s32 $execute0_lowered;
	[smem:$0x3FD2] =	sst s25  }
0xac: {  	s6 =	sshll.u32 s26, $0x1;
	_ =	strace $0x80000046;
	[dreg:$0x1] =	wrdreg $0xFFFFFFFF  }
0xad: {  	s28 =	simm.s32 $_size_execute0_lowered;
	s4 =	sadd.s32 s4, s6;
	[dreg:$0x0] =	wrdreg $0x0  }
0xae: {  	s6 =	sshll.u32 s28, $0x1;
	[dreg:$0x2] =	wrdreg s4  }
0xaf: {  	[dreg:$0x3] =	wrdreg s6  }
0xb0: {  	[dreg:$0x4] =	wrdreg $0xC0  }
0xb1: {  	_ =	task [dreg:s8], $0x5FFFF  }
0xb2: {  	[dreg:$0x1] =	wrdreg $0xFFFFFFFF  }
0xb3: {  	[dreg:$0x0] =	wrdreg $0x60  }
0xb4: {  	[dreg:$0x2] =	wrdreg s24  }
0xb5: {  	[dreg:$0x3] =	wrdreg s16  }
0xb6: {  	[dreg:$0x4] =	wrdreg s17  }
0xb7: {  	[dreg:$0x5] =	wrdreg $0x81580  }
0xb8: {  	[dreg:$0x6] =	wrdreg $0x9  }
0xb9: {  	_ =	task.clear_ibuf [dreg:s8], $0x7FFFF;
	_ =	strace $0x90000046  }
0xba: {  	s29 =	simm.s32 $0x9;
	_ =	strace $0x80000048  }
0xbb: {  	_ =	swait.ge [sflag:s29], $0x1  }
0xbc: {  	[sflag:s29] =	ssyncadd.s32 $0xFFFFFFFF  }
0xbd: {  	_ =	strace $0x90000048  }
0xbe: {  	_ =	sfence  }
0xbf: {  	s30 =	sld [smem:$0x0];
	_ =	sdelay $0x2  }
0xc0: {  	s31 =	sshll.u32 s1, $0xD;
	s1 =	sshrl.u32 s1, $0x2  }
0xc1: {  	s3 =	sand.u32 $0x4000, s31;
	s1 =	sadd.s32 s1, s30  }
0xc2: {  	s0 =	sor.u32 s3, s0;
	s1 =	sshll.u32 s1, $0x11  }
0xc3: {  	s0 =	sor.u32 s1, s0  }
0xc4: {  	s0 =	sadd.s32 $0x8F2B, s0  }
0xc5: {  	[sflag:s0] =	ssyncadd.remote.s32 $0x1  }
0xc6: {  	_ =	sfence.sel $0xFFFF  }
0xc7: {  	[dreg:$0x0] =	wrdreg $0xFFFFFFFF;
	(pc) =	sbr.abs _section_cstart, $3  }
0xc8: {  	[dreg:$0x1] =	wrdreg $0xFFFFFFFF  }
0xc9: {  	_ =	task.clear_ibuf [dreg:s8], $0x2FFFF;
	_ =	strace $0x9FFFFFFF  }
0xca: {  	(tm) =	ssettm $0x7FFFFFFF  }
0xcb: {  	_ =	shalt  }
tec
execute0_lowered:
.L_overlay_start_1:
0x0: {  	(tag) =	ssettag $0x1  }
0x1: {  	s4 =	rddreg [dreg:$0x0]  }
0x2: {  	s14 =	rddreg [dreg:$0x1]  }
0x3: {  	s0 =	srdreg.scid;
	s12 =	rddreg [dreg:$0x2]  }
0x4: {  	s21 =	stileid.u32;
	s8 =	rddreg [dreg:$0x3];
	s3 =	simm.s32 $0x0  }
0x5: {  	s15 =	simm.s32 $0x1;
	s16 =	simm.s32 $0x1;
	s17 =	simm.s32 $0x1  }
0x6: {  	s18 =	simm.s32 $0x1;
	s19 =	simm.s32 $0x1;
	s20 =	simm.s32 $0x1  }
0x7: {  	s22 =	simm.s32 $0x6278;
	s23 =	simm.s32 $0x6958;
	s0 =	sand.u32 $0x1, s0  }
0x8: {  	s2 =	sshrl.u32 s21, $0x3;
	s10 =	sand.u32 $0x7, s21;
	[smem:$0x7FF] =	sst s3  }
0x9: {  	s26 =	sand.u32 $0x8, s21;
	s28 =	smul.u32 $0x280, s21;
	s21 =	sand.u32 $0x3, s21  }
0xa: {  	s1 =	sshll.u32 s0, $0x1;
	s9 =	smul.u32 $0xC00, s10;
	_ =	strace $0x80000047  }
0xb: {  	s0 =	ssub.s32 $0x2, s0;
	s13 =	smul.u32 $0x280, s26;
	p0 =	sne.s32 s10, $0x0  }
0xc: {  	p1 =	sgt.u32 s10, $0x1;
	s2 =	sor.u32 s2, s1;
	s1 =	smul.u32 $0x186A, s10  }
0xd: {  	s29 =	sshrl.u32 s0, $0x1;
	s30 =	sshrl.u32 s28, $0x2;
	s5 =	smul.u32 $0x24A20, s2  }
0xe: {  	s15 =	simm.s32 @!p1 $0x0;
	p1 =	sgt.u32 s10, $0x2;
	s6 =	smul.u32 $0x6000, s2  }
0xf: {  	s0 =	ssub.s32 s0, s29;
	s31 =	sshrl.u32 s13, $0x2;
	s13 =	simm.s32 $0x1  }
0x10: {  	s16 =	simm.s32 @!p1 $0x0;
	p1 =	sgt.u32 s10, $0x3;
	s2 =	smul.u32 $0x14, s2  }
0x11: {  	s7 =	sand.u32 $0xFFF8, s1;
	s17 =	simm.s32 @!p1 $0x0;
	p1 =	sgt.u32 s10, $0x4  }
0x12: {  	v1 =	vmov s15;
	s13 =	simm.s32 @!p0 $0x0;
	s15 =	smax.u32 s0, $0x1;
	s5 =	sadd.s32 s7, s5  }
0x13: {  	s6 =	sadd.s32 s9, s6;
	s7 =	sadd.s32 s30, s8;
	s8 =	sadd.s32 s31, s8  }
0x14: {  	s18 =	simm.s32 @!p1 $0x0;
	p1 =	sgt.u32 s10, $0x5;
	s9 =	simm.s32 $0x1  }
0x15: {  	v0 =	vmov s13;
	s12 =	sadd.s32 s12, s2;
	s13 =	sshll.u32 s21, $0x1;
	s14 =	sadd.s32 s14, s2  }
0x16: {  	s21 =	simm.s32 $0x6458;
	s5 =	sshrl.u32 s5, $0x3;
	s25 =	sshrl.u32 s6, $0x3  }
0x17: {  	v4 =	vlaneseq.u32;
	v2 =	vmov s16;
	s19 =	simm.s32 @!p1 $0x0;
	p1 =	seq.s32 s10, $0x7;
	s16 =	sor.u32 $0x1878, s13  }
0x18: {  	v11 =	vmul.u32 $0xFFFFFFFF, v4;
	v3 =	vmov s17;
	s17 =	sor.u32 $0x30F0, s13;
	s24 =	sadd.s32 s5, s4;
	s11 =	sadd.s32 s25, s4  }
0x19: {  	v9 =	vimm.s32 $0x0;
	v10 =	vimm.s32 $0xFF;
	s20 =	simm.s32 @!p1 $0x0;
	s25 =	simm.s32 $0x0;
	s4 =	sadd.s32 $0x1000, s24  }
0x1a: {  	v12 =	vimm.s32 $0x1;
	v11 =	vadd.s32 $0x186A, v11;
	v8 =	vmov s1;
	s5 =	sadd.s32 $0x286C, s24;
	s6 =	sadd.s32 $0x40D8, s24;
	s10 =	sadd.s32 $0x13600, s11  }
0x1b: {  	v5 =	vmov s18;
	v6 =	vmov s19;
	s11 =	sadd.s32 $0x16600, s11;
	v7 =	vmov s20;
	s20 =	simm.s32 $0x61D8;
	s24 =	simm.s32 $0x7558  }
.LBB2_1:
0x1c: {  	[tilespmem:$0x61D8] =	vst v9  }
0x1d: {  	[tilespmem:$0x61E8] =	vst v9  }
0x1e: {  	[tilespmem:$0x61F8] =	vst v9  }
0x1f: {  	[tilespmem:$0x6208] =	vst v9  }
0x20: {  	[tilespmem:$0x6218] =	vst v9  }
0x21: {  	[tilespmem:$0x6228] =	vst v9  }
0x22: {  	[tilespmem:$0x6238] =	vst v9  }
0x23: {  	[tilespmem:$0x6248] =	vst v9  }
0x24: {  	[tilespmem:$0x6258] =	vst v9  }
0x25: {  	[tilespmem:$0x6268] =	vst v9;
	s0 =	simm.s32 $0x40;
	s2 =	simm.s32 $0x0  }
.LBB2_2:
0x26: {  	p1 =	sne.s32 s0, $0x2FC0;
	[tilespmem:s2+$0x7558] =	vst v10;
	s2 =	smov.u32 s0;
	s0 =	sadd.s32 $0x40, s0  }
.Ltmp0:
0x27: {  	(pc) =	sbr.rel @p1 .LBB2_2-.Ltmp0, $2  }
0x28: {  	_ =	sdelay $0x2  }
0x29: {  	s2 =	sshra.s32 s2, $0x2  }
0x2a: {  	[tilespmem:s2+$0x7558] =	vst v10;
	s0 =	simm.s32 $0x0  }
0x2b: {  	[tilespmem:s0], [sflag:$0x1] =	stream.linear.gather [hbm4b:s4+s0], $0x1878, $0x38;
	[tilespmem:$0x81F8] =	vst v63  }
0x2c: {  	_ =	swait.ge [sflag:s9], $0x1878  }
0x2d: {  	[sflag:s9] =	ssyncset.done $0x0  }
0x2e: {  	s26 =	simm.s32 $0x1878;
	[sflag:s9] =	ssyncadd.s32 $0xFFFFE788  }
0x2f: {  	[tilespmem:s26], [sflag:$0x1] =	stream.linear.gather [hbm4b:s5+s0], $0x1878, $0x38;
	[tilespmem:$0x81F8] =	vst v63  }
0x30: {  	_ =	swait.ge [sflag:s9], $0x1878  }
0x31: {  	[sflag:s9] =	ssyncset.done $0x0  }
0x32: {  	s31 =	simm.s32 $0x30F0;
	[sflag:s9] =	ssyncadd.s32 $0xFFFFE788  }
0x33: {  	[tilespmem:s31], [sflag:$0x1] =	stream.linear.gather [hbm4b:s6+s0], $0x1878, $0x38;
	[tilespmem:$0x81F8] =	vst v63  }
0x34: {  	_ =	swait.ge [sflag:s9], $0x1878  }
0x35: {  	[sflag:s9] =	ssyncset.done $0x0  }
0x36: {  	[sflag:s9] =	ssyncadd.s32 $0xFFFFE788  }
0x37: {  	v15 =	vld [tilespmem:s13+$0x0]  }
0x38: {  	v16 =	vld [tilespmem:s16+$0x0];
	_ =	sdelay $0x2  }
0x39: {  	v14 =	vld [tilespmem:s17+$0x0]  }
0x3a: {  	v13 =	vmov s0;
	vm0 =	vge.f32 v15, $-1.000000000e+00;
	v17 =	vadd.f32 $1.000000000e+00, v15  }
0x3b: {  	vm1 =	vge.f32 v16, $-1.000000000e+00;
	vm2 =	vlt.f32 v16, $5.000000000e+00;
	v18 =	vadd.f32 $1.000000000e+00, v16  }
0x3c: {  	vm3 =	vlt.f32 v15, $3.000000000e+00;
	vm0 =	vmand vm0, vm1;
	v15 =	vtrunc.f32 v17  }
0x3d: {  	s2 =	simm.s32 $0x10;
	s28 =	sadd.s32 $0x10, s17;
	s29 =	smov.u32 s13;
	vm0 =	vmand vm0, vm3;
	v16 =	vcvt.f32.s32 v15;
	v15 =	vtrunc.f32 v18  }
0x3e: {  	s30 =	smov.u32 s16;
	s26 =	simm.s32 $0x4968;
	s0 =	simm.s32 $0x4968;
	v17 =	vadd.f32 $1.000000000e+00, v14;
	vm0 =	vmand vm2, vm0;
	v15 =	vcvt.f32.s32 v15  }
.LBB2_4:
0x3f: {  	vm1 =	vge.f32 v14, $-1.000000000e+00;
	vm2 =	vlt.f32 v14, $5.000000000e+00;
	v14 =	vmul.u32 $0x24, v16;
	s0 =	sadd.s32 $0x10, s0;
	s29 =	sadd.s32 $0x10, s29;
	s30 =	sadd.s32 $0x10, s30  }
0x40: {  	p1 =	sne.s32 s2, $0x1860;
	s18 =	smov.u32 s2;
	s2 =	sadd.s32 $0x10, s2;
	vm0 =	vmand vm1, vm0;
	v16 =	vtrunc.f32 v17;
	v15 =	vmul.u32 $0x6, v15  }
0x41: {  	vm1 =	vlt.u32 v13, v11;
	vm0 =	vmand vm2, vm0;
	v13 =	vcvt.f32.s32 v16  }
0x42: {  	vm0 =	vmand vm1, vm0;
	v14 =	vadd.s32 v14, v15  }
0x43: {  	v13 =	vadd.s32 v13, v14  }
0x44: {  	v13 =	vnsel vm0, $0x90, v13  }
0x45: {  	(xrf1) =	vunique.msk.u32 $0xffff, v13;
	_ =	sdelay $0x7  }
0x46: {  	v14 =	vld.idx.msk [tilespmem:v13+s20+$0x0], $0xffff  }
0x47: {  	[tilespmem:v13+s20+$0x0] =	vst.idx.add.s32.msk $0xffff, v12;
	_ =	sdelay $0x4  }
0x48: {  	_, v15, _ =	vpop (xrf1)  }
0x49: {  	v14 =	vadd.s32 v15, v14  }
0x4a: {  	v14 =	vadd.s32 $0xFFFFFFFF, v14  }
0x4b: {  	vm0 =	vlt.s32 v14, $0x1F  }
0x4c: {  	v14 =	vnsel vm0, $0x1F, v14  }
0x4d: {  	v14 =	vshll.u32 v14, $0x8  }
0x4e: {  	v13 =	vor.u32 v13, v14  }
0x4f: {  	[tilespmem:s26+$0x0] =	vst v13;
	s26 =	smov.u32 s0  }
0x50: {  	v15 =	vld [tilespmem:s29+$0x0]  }
0x51: {  	v16 =	vld [tilespmem:s30+$0x0];
	_ =	sdelay $0x2  }
0x52: {  	v14 =	vld [tilespmem:s28+$0x0]  }
.Ltmp1:
0x53: {  	v13 =	vmov s18;
	vm0 =	vge.f32 v15, $-1.000000000e+00;
	v17 =	vadd.f32 $1.000000000e+00, v15;
	(pc) =	sbr.rel @p1 .LBB2_4-.Ltmp1, $4  }
0x54: {  	vm1 =	vge.f32 v16, $-1.000000000e+00;
	vm2 =	vlt.f32 v16, $5.000000000e+00;
	v18 =	vadd.f32 $1.000000000e+00, v16  }
0x55: {  	vm3 =	vlt.f32 v15, $3.000000000e+00;
	vm0 =	vmand vm0, vm1;
	v15 =	vtrunc.f32 v17  }
0x56: {  	vm0 =	vmand vm0, vm3;
	v16 =	vcvt.f32.s32 v15;
	v15 =	vtrunc.f32 v18  }
0x57: {  	s28 =	sadd.s32 $0x10, s28;
	vm0 =	vmand vm2, vm0;
	v15 =	vcvt.f32.s32 v15;
	v17 =	vadd.f32 $1.000000000e+00, v14  }
0x58: {  	vm1 =	vge.f32 v14, $-1.000000000e+00  }
0x59: {  	v16 =	vmul.u32 $0x24, v16;
	v17 =	vtrunc.f32 v17;
	v15 =	vmul.u32 $0x6, v15  }
0x5a: {  	vm2 =	vlt.f32 v14, $5.000000000e+00;
	vm0 =	vmand vm1, vm0;
	v14 =	vcvt.f32.s32 v17  }
0x5b: {  	vm12 =	vlt.u32 v13, v11;
	vm0 =	vmand vm2, vm0;
	v13 =	vadd.s32 v16, v15  }
0x5c: {  	vm0 =	vmand vm12, vm0;
	v13 =	vadd.s32 v14, v13  }
0x5d: {  	v13 =	vnsel vm0, $0x90, v13  }
0x5e: {  	(xrf1) =	vunique.msk.u32 $0xffff, v13;
	_ =	sdelay $0x9  }
0x5f: {  	v14 =	vld.idx.msk [tilespmem:v13+s20+$0x0], $0xffff;
	_ =	sdelay $0x3  }
0x60: {  	_, v15, _ =	vpop (xrf1)  }
0x61: {  	v14 =	vadd.s32 v15, v14  }
0x62: {  	v14 =	vadd.s32 $0xFFFFFFFF, v14  }
0x63: {  	vm13 =	vlt.s32 v14, $0x1F  }
0x64: {  	v14 =	vnsel vm13, $0x1F, v14  }
0x65: {  	v14 =	vshll.u32 v14, $0x8  }
0x66: {  	[tilespmem:v13+s20+$0x0] =	vst.idx.add.s32.msk $0xffff, v12;
	v13 =	vor.u32 v13, v14  }
0x67: {  	[tilespmem:s26+$0x0] =	vst v13  }
0x68: {  	[spmem:s7] =	stream.linear.scatter [tilespmem:s20], [sflag:$0x1], $0xA0, $0x38;
	[tilespmem:$0x81F8] =	vst v63  }
0x69: {  	_ =	swait.ge [sflag:s9], $0xA0  }
0x6a: {  	[sflag:s9] =	ssyncset.done $0x0  }
0x6b: {  	[sflag:s9] =	ssyncadd.s32 $0xFFFFFF60  }
0x6c: {  	[bflag:$0x0] =	sbarrier.arrive $0xFFFF  }
0x6d: {  	[tilespmem:s21], [sflag:$0x1] =	stream.linear.gather [spmem:s8], $0x500, $0x38;
	[tilespmem:$0x81F8] =	vst v63  }
0x6e: {  	_ =	swait.ge [sflag:s9], $0x500  }
0x6f: {  	[sflag:s9] =	ssyncset.done $0x0  }
0x70: {  	s28 =	simm.s32 $0x0;
	[sflag:s9] =	ssyncadd.s32 $0xFFFFFB00  }
0x71: {  	v13 =	vld [tilespmem:s28+$0x6458]  }
0x72: {  	v14 =	vld [tilespmem:s28+$0x64F8]  }
0x73: {  	v15 =	vld [tilespmem:s28+$0x6598]  }
0x74: {  	v16 =	vld [tilespmem:s28+$0x6638]  }
0x75: {  	v17 =	vld [tilespmem:s28+$0x66D8]  }
0x76: {  	v18 =	vld [tilespmem:s28+$0x6778]  }
0x77: {  	v20 =	vld [tilespmem:s28+$0x6818];
	v19 =	vadd.s32 v13, v14  }
0x78: {  	v21 =	vld [tilespmem:s28+$0x68B8];
	v19 =	vadd.s32 v15, v19  }
0x79: {  	v13 =	vmul.u32 v0, v13;
	v14 =	vmul.u32 v1, v14;
	v19 =	vadd.s32 v16, v19  }
0x7a: {  	s26 =	simm.s32 $0x10;
	v15 =	vmul.u32 v2, v15;
	v19 =	vadd.s32 v17, v19  }
0x7b: {  	v22 =	vld [tilespmem:s26+$0x6458];
	v13 =	vadd.s32 v13, v14;
	v14 =	vmul.u32 v3, v16;
	v19 =	vadd.s32 v18, v19  }
0x7c: {  	v23 =	vld [tilespmem:s26+$0x64F8];
	v13 =	vadd.s32 v15, v13;
	v15 =	vmul.u32 v5, v17;
	v16 =	vadd.s32 v20, v19  }
0x7d: {  	v13 =	vadd.s32 v14, v13;
	v14 =	vmul.u32 v6, v18;
	v19 =	vld [tilespmem:s26+$0x6598];
	v16 =	vadd.s32 v21, v16  }
0x7e: {  	v17 =	vld [tilespmem:s26+$0x6638];
	v13 =	vadd.s32 v15, v13;
	v15 =	vmul.u32 v7, v20;
	vm14 =	vlt.s32 v16, $0x14  }
0x7f: {  	v18 =	vld [tilespmem:s26+$0x66D8];
	v13 =	vadd.s32 v14, v13;
	v16 =	vnsel vm14, $0x14, v16  }
0x80: {  	v20 =	vld [tilespmem:s26+$0x6778];
	v13 =	vadd.s32 v15, v13;
	[tilespmem:s28+$0x63B8] =	vst v16;
	vm0 =	vgt.s32 v16, $0x1  }
0x81: {  	v21 =	vadd.s32 v22, v23;
	v15 =	vmul.u32 v0, v22;
	v14 =	vld [tilespmem:s26+$0x6818];
	[tilespmem:s28+$0x6278] =	vst v13;
	v13 =	vnsel vm0, $0x1, v16  }
0x82: {  	v16 =	vmul.u32 v1, v23;
	v21 =	vadd.s32 v19, v21;
	v22 =	vld [tilespmem:s26+$0x68B8];
	v13 =	vcvt.s32.f32 v13  }
0x83: {  	v19 =	vmul.u32 v2, v19;
	v21 =	vadd.s32 v17, v21  }
0x84: {  	s31 =	simm.s32 $0x20;
	v15 =	vadd.s32 v15, v16;
	v16 =	vadd.s32 v18, v21;
	v13 =	vmul.f32 v13, v13  }
0x85: {  	v17 =	vmul.u32 v3, v17;
	v15 =	vadd.s32 v19, v15;
	v19 =	vld [tilespmem:s31+$0x6458];
	v16 =	vadd.s32 v20, v16  }
0x86: {  	v18 =	vmul.u32 v5, v18;
	v21 =	vld [tilespmem:s31+$0x64F8];
	v16 =	vadd.s32 v14, v16;
	(erf) = vrcp.f32 v13  }
0x87: {  	v13 =	vadd.s32 v17, v15;
	v15 =	vmul.u32 v6, v20;
	v16 =	vadd.s32 v22, v16  }
0x88: {  	v17 =	vld [tilespmem:s31+$0x6598];
	v20 =	vmul.u32 v7, v14;
	v13 =	vadd.s32 v18, v13;
	vm15 =	vlt.s32 v16, $0x14  }
0x89: {  	v18 =	vld [tilespmem:s31+$0x6638];
	v13 =	vadd.s32 v15, v13;
	v15 =	vnsel vm15, $0x14, v16  }
0x8a: {  	v22 =	vld [tilespmem:s31+$0x66D8];
	v16 =	vmul.u32 v0, v19;
	v13 =	vadd.s32 v20, v13;
	vm0 =	vgt.s32 v15, $0x1  }
0x8b: {  	v14 =	vld [tilespmem:s31+$0x6778];
	v20 =	vmul.u32 v1, v21;
	v19 =	vadd.s32 v19, v21;
	[tilespmem:s26+$0x63B8] =	vst v15;
	v21 =	vnsel vm0, $0x1, v15  }
0x8c: {  	v15 =	vld [tilespmem:s31+$0x6818];
	[tilespmem:s26+$0x6278] =	vst v13;
	v21 =	vcvt.s32.f32 v21  }
0x8d: {  	v19 =	vadd.s32 v17, v19;
	v23 =	vmul.u32 v2, v17;
	v17 =	vld [tilespmem:s31+$0x68B8]  }
0x8e: {  	v13 =	vadd.s32 v16, v20;
	v20 =	vmul.u32 v3, v18;
	v16 =	vadd.s32 v18, v19  }
0x8f: {  	s29 =	simm.s32 $0x0;
	s30 =	simm.s32 $0x80;
	s0 =	simm.s32 $0x30;
	v18 =	vadd.s32 v23, v13;
	v23 =	vadd.s32 v22, v16;
	v16 =	vmul.f32 v21, v21  }
0x90: {  	s19 =	simm.s32 $0x100;
	s18 =	simm.s32 $0x0;
	s2 =	simm.s32 $0x10;
	v19 =	vmul.u32 v5, v22;
	v13 =	vld [tilespmem:s0+$0x6458];
	v18 =	vadd.s32 v20, v18;
	v20 =	vadd.s32 v14, v23;
	v21 =	vpop (erf)  }
.LBB2_6:
0x91: {  	p1 =	sne.s32 s19, $0x240;
	v22 =	vld [tilespmem:s0+$0x64F8];
	v20 =	vadd.s32 v15, v20;
	(erf) = vrcp.f32 v16;
	v16 =	vmul.f32 $2.000000000e+01, v21  }
0x92: {  	v14 =	vmul.u32 v6, v14;
	v21 =	vld [tilespmem:s0+$0x6598];
	v18 =	vadd.s32 v19, v18;
	v17 =	vadd.s32 v17, v20  }
0x93: {  	v15 =	vmul.u32 v7, v15;
	v19 =	vld [tilespmem:s0+$0x6638];
	vm0 =	vlt.s32 v17, $0x14;
	[tilespmem:s18+$0x6318] =	vst v16;
	s18 =	smov.u32 s2;
	s2 =	smov.u32 s31;
	s31 =	smov.u32 s0  }
0x94: {  	v16 =	vadd.s32 v14, v18;
	v20 =	vld [tilespmem:s31+$0x66D8];
	v17 =	vnsel vm0, $0x14, v17  }
0x95: {  	v16 =	vadd.s32 v15, v16;
	v18 =	vmul.u32 v0, v13;
	v14 =	vld [tilespmem:s31+$0x6778];
	[tilespmem:s2+$0x63B8] =	vst v17;
	vm0 =	vgt.s32 v17, $0x1  }
.Ltmp2:
0x96: {  	v23 =	vmul.u32 v1, v22;
	v13 =	vadd.s32 v13, v22;
	v15 =	vld [tilespmem:s31+$0x6818];
	[tilespmem:s2+$0x6278] =	vst v16;
	v16 =	vnsel vm0, $0x1, v17;
	(pc) =	sbr.rel @p1 .LBB2_6-.Ltmp2, $4  }
0x97: {  	v22 =	vmul.u32 v2, v21;
	v13 =	vadd.s32 v21, v13;
	v17 =	vld [tilespmem:s31+$0x68B8];
	v16 =	vcvt.s32.f32 v16  }
0x98: {  	v18 =	vadd.s32 v18, v23;
	v23 =	vmul.u32 v3, v19;
	v13 =	vadd.s32 v19, v13  }
0x99: {  	s0 =	sshra.s32 s19, $0x2;
	v18 =	vadd.s32 v22, v18;
	v22 =	vadd.s32 v20, v13;
	v16 =	vmul.f32 v16, v16  }
0x9a: {  	s19 =	sadd.s32 $0x40, s19;
	v19 =	vmul.u32 v5, v20;
	v13 =	vld [tilespmem:s0+$0x6458];
	v18 =	vadd.s32 v23, v18;
	v20 =	vadd.s32 v14, v22;
	v21 =	vpop (erf)  }
0x9b: {  	v22 =	vld [tilespmem:s0+$0x64F8];
	v21 =	vmul.f32 $2.000000000e+01, v21;
	v20 =	vadd.s32 v15, v20  }
0x9c: {  	v23 =	vld [tilespmem:s0+$0x6598];
	v14 =	vmul.u32 v6, v14;
	v17 =	vadd.s32 v17, v20  }
0x9d: {  	v24 =	vld [tilespmem:s0+$0x6638];
	v15 =	vmul.u32 v7, v15;
	v18 =	vadd.s32 v19, v18;
	[tilespmem:s18+$0x6318] =	vst v21;
	vm0 =	vlt.s32 v17, $0x14  }
0x9e: {  	v14 =	vadd.s32 v14, v18;
	v50 =	vld [tilespmem:s0+$0x66D8];
	v17 =	vnsel vm0, $0x14, v17  }
0x9f: {  	v51 =	vld [tilespmem:s0+$0x6778];
	v14 =	vadd.s32 v15, v14;
	[tilespmem:s31+$0x63B8] =	vst v17  }
0xa0: {  	v15 =	vld [tilespmem:s0+$0x6818];
	v52 =	vadd.s32 v13, v22;
	[tilespmem:s31+$0x6278] =	vst v14  }
0xa1: {  	v14 =	vadd.s32 v23, v52;
	v53 =	vld [tilespmem:s0+$0x68B8]  }
0xa2: {  	v14 =	vadd.s32 v24, v14  }
0xa3: {  	v14 =	vadd.s32 v50, v14  }
0xa4: {  	v14 =	vadd.s32 v51, v14  }
0xa5: {  	v14 =	vadd.s32 v15, v14  }
0xa6: {  	v14 =	vadd.s32 v53, v14  }
0xa7: {  	vm12 =	vlt.s32 v14, $0x14  }
0xa8: {  	vm13 =	vgt.s32 v17, $0x1;
	v14 =	vnsel vm12, $0x14, v14  }
0xa9: {  	v17 =	vnsel vm13, $0x1, v17;
	vm14 =	vgt.s32 v14, $0x1  }
0xaa: {  	v17 =	vcvt.s32.f32 v17;
	v54 =	vnsel vm14, $0x1, v14  }
0xab: {  	(erf) = vrcp.f32 v16;
	v55 =	vcvt.s32.f32 v54  }
0xac: {  	v17 =	vmul.f32 v17, v17  }
0xad: {  	v16 =	vmul.f32 v55, v55  }
0xae: {  	(erf) = vrcp.f32 v17  }
0xaf: {  	(erf) = vrcp.f32 v16;
	_ =	sdelay $0x1  }
0xb0: {  	v13 =	vmul.u32 v0, v13;
	v56 =	vmul.u32 v1, v22  }
0xb1: {  	v57 =	vmul.u32 v2, v23  }
0xb2: {  	v58 =	vmul.u32 v3, v24;
	v13 =	vadd.s32 v13, v56  }
0xb3: {  	v13 =	vadd.s32 v57, v13;
	v60 =	vmul.u32 v5, v50;
	v59 =	vpop (erf);
	v15 =	vmul.u32 v7, v15  }
0xb4: {  	v62 =	vmul.u32 v6, v51;
	v13 =	vadd.s32 v58, v13;
	v61 =	vmul.f32 $2.000000000e+01, v59  }
0xb5: {  	v13 =	vadd.s32 v60, v13  }
0xb6: {  	v13 =	vadd.s32 v62, v13;
	[tilespmem:s2+$0x6318] =	vst v61;
	v63 =	vpop (erf)  }
0xb7: {  	v13 =	vadd.s32 v15, v13;
	[tilespmem:s0+$0x63B8] =	vst v14;
	v14 =	vmul.f32 $2.000000000e+01, v63;
	v15 =	vpop (erf)  }
0xb8: {  	[tilespmem:s0+$0x6278] =	vst v13;
	v13 =	vmul.f32 $2.000000000e+01, v15  }
0xb9: {  	[tilespmem:s31+$0x6318] =	vst v14  }
0xba: {  	[tilespmem:s0+$0x6318] =	vst v13  }
0xbb: {  	v13 =	vld [tilespmem:s28+$0x4968];
	_ =	sdelay $0x4  }
0xbc: {  	v14 =	vand.u32 $0xFF, v13;
	_ =	sdelay $0x4  }
0xbd: {  	v15 =	vld.idx.msk [tilespmem:v14+s22+$0x0], $0xffff;
	_ =	sdelay $0x3  }
0xbe: {  	v13 =	vshrl.u32 v13, $0x8  }
0xbf: {  	v13 =	vadd.s32 v13, v15  }
0xc0: {  	vm15 =	vne.s32 v14, $0x90;
	vm1 =	vlt.s32 v13, $0x14  }
0xc1: {  	vm0 =	vmand vm15, vm1  }
0xc2: {  	v15 =	vsel vm0, $0x1, v9  }
0xc3: {  	v13 =	vadd.s32 s1, v4;
	(xrf0) =	vadd.scan.msk.s32 $0xffff, v15  }
0xc4: {  	[tilespmem:s29+$0x6958] =	vst.msk vm0, v13  }
0xc5: {  	s0 =	smov.u32 s1;
	[tilespmem:s29+$0x7558] =	vst.msk vm0, v14  }
.LBB2_8:
0xc6: {  	p1 =	sne.s32 s30, $0x6180;
	v13 =	vld [tilespmem:s26+$0x4968];
	_ =	sdelay $0x2  }
0xc7: {  	v14, _, _ =	vpop (xrf0)  }
0xc8: {  	(v2sf) =	vpush v14, $0xF  }
0xc9: {  	v14 =	vand.u32 $0xFF, v13;
	_ =	sdelay $0x4  }
0xca: {  	v15 =	vld.idx.msk [tilespmem:v14+s22+$0x0], $0xffff;
	_ =	sdelay $0x4  }
0xcb: {  	v13 =	vshrl.u32 v13, $0x8  }
0xcc: {  	v13 =	vadd.s32 v13, v15  }
0xcd: {  	vm0 =	vne.s32 v14, $0x90;
	vm1 =	vlt.s32 v13, $0x14  }
.Ltmp3:
0xce: {  	vm0 =	vmand vm0, vm1;
	(pc) =	sbr.rel @p1 .LBB2_8-.Ltmp3, $4  }
0xcf: {  	s0 =	sadd.s32 $0x10, s0;
	v13 =	vsel vm0, $0x1, v9;
	s2 =	spop (v2sf)  }
0xd0: {  	v15 =	vadd.s32 s0, v4;
	(xrf0) =	vadd.scan.msk.s32 $0xffff, v13;
	s29 =	sadd.s32 s29, s2  }
0xd1: {  	[tilespmem:s29+$0x6958] =	vst.msk vm0, v15  }
0xd2: {  	s26 =	sshra.s32 s30, $0x2;
	s30 =	sadd.s32 $0x40, s30;
	[tilespmem:s29+$0x7558] =	vst.msk vm0, v14  }
0xd3: {  	v13 =	vld [tilespmem:s26+$0x4968];
	_ =	sdelay $0x4  }
0xd4: {  	v14 =	vand.u32 $0xFF, v13;
	_ =	sdelay $0x4  }
0xd5: {  	v15 =	vld.idx.msk [tilespmem:v14+s22+$0x0], $0xffff;
	_ =	sdelay $0x3  }
0xd6: {  	v13 =	vshrl.u32 v13, $0x8  }
0xd7: {  	v13 =	vadd.s32 v13, v15  }
0xd8: {  	vm0 =	vne.s32 v14, $0x90;
	vm1 =	vlt.s32 v13, $0x14  }
0xd9: {  	vm0 =	vmand vm0, vm1  }
0xda: {  	v13 =	vsel vm0, $0x1, v9  }
0xdb: {  	(xrf0) =	vadd.scan.msk.s32 $0xffff, v13;
	_ =	sdelay $0x4  }
0xdc: {  	v13, _, _ =	vpop (xrf0)  }
0xdd: {  	(v2sf) =	vpush v13, $0xF;
	v13, _, _ =	vpop (xrf0)  }
0xde: {  	(v2sf) =	vpush v13, $0xF;
	_ =	sdelay $0xd  }
0xdf: {  	s2 =	spop (v2sf)  }
0xe0: {  	s2 =	sadd.s32 s29, s2;
	s18 =	spop (v2sf)  }
0xe1: {  	s18 =	sadd.s32 s2, s18  }
0xe2: {  	s19 =	sadd.s32 $0xF, s18  }
0xe3: {  	s29 =	sand.u32 $0xF, s19  }
0xe4: {  	s30 =	sshra.s32 s19, $0x1F;
	p2 =	slt.s32 s19, $0x1;
	p1 =	sne.s32 s29, $0x0  }
0xe5: {  	s26 =	sshrl.u32 s30, $0x1C;
	p1 =	por !p2, !p1  }
0xe6: {  	s19 =	sadd.s32 s26, s19;
	s26 =	simm.s32 $0x1;
	p1 =	por !p1, !p1  }
0xe7: {  	s19 =	sshrl.u32 s19, $0x4;
	s26 =	simm.s32 @!p1 $0x0  }
0xe8: {  	s19 =	ssub.s32 s19, s26  }
0xe9: {  	s0 =	sadd.s32 $0x10, s0;
	s19 =	sshll.u32 s19, $0x4  }
0xea: {  	v13 =	vadd.s32 s0, v4;
	s31 =	ssub.s32 s19, s18  }
0xeb: {  	[tilespmem:s2+$0x6958] =	vst.msk vm0, v13;
	v13 =	vmov s31  }
0xec: {  	[tilespmem:s2+$0x7558] =	vst.msk vm0, v14;
	vm15 =	vgt.s32 v13, v4  }
0xed: {  	[tilespmem:s18+$0x6958] =	vst v8;
	v13 =	vsel vm15, $0x9F, v10  }
0xee: {  	[tilespmem:s18+$0x7558] =	vst v13  }
0xef: {  	[hbm4b:s10+s3] =	stream.linear.scatter [tilespmem:s23], [sflag:$0x1], $0xC00, $0x38;
	[tilespmem:$0x81F8] =	vst v63  }
0xf0: {  	_ =	swait.ge [sflag:s9], $0xC00  }
0xf1: {  	[sflag:s9] =	ssyncset.done $0x0  }
0xf2: {  	[sflag:s9] =	ssyncadd.s32 $0xFFFFF400  }
0xf3: {  	[hbm4b:s11+s3] =	stream.linear.scatter [tilespmem:s24], [sflag:$0x1], $0xC00, $0x38;
	[tilespmem:$0x81F8] =	vst v63  }
0xf4: {  	_ =	swait.ge [sflag:s9], $0xC00  }
0xf5: {  	[sflag:s9] =	ssyncset.done $0x0  }
0xf6: {  	s0 =	simm.s32 @!p0 $0x0;
	s2 =	simm.s32 @!p0 $0x63B8;
	[sflag:s9] =	ssyncadd.s32 $0xFFFFF400  }
0xf7: {  	[hbm4b:s12+s0] =	stream.linear.scatter @!p0 [tilespmem:s2], [sflag:$0x1], $0xA0, $0x38;
	[tilespmem:$0x81F8] =	vst v63  }
0xf8: {  	s2 =	simm.s32 @!p0 $0x1  }
0xf9: {  	s25 =	sadd.s32 $0x1, s25;
	_ =	swait.ge @!p0 [sflag:s2], $0xA0  }
0xfa: {  	p1 =	sne.s32 s25, s15;
	[sflag:s2] =	ssyncset.done @!p0 $0x0  }
.Ltmp4:
0xfb: {  	s18 =	simm.s32 @!p0 $0x6318;
	[sflag:s2] =	ssyncadd.s32 @!p0 $0xFFFFFF60;
	(pc) =	sbr.rel @p1 .LBB2_1-.Ltmp4, $4  }
0xfc: {  	[hbm4b:s14+s0] =	stream.linear.scatter @!p0 [tilespmem:s18], [sflag:$0x1], $0xA0, $0x38;
	[tilespmem:$0x81F8] =	vst v63  }
0xfd: {  	_ =	swait.ge @!p0 [sflag:s2], $0xA0  }
0xfe: {  	[sflag:s2] =	ssyncset.done @!p0 $0x0  }
0xff: {  	[sflag:s2] =	ssyncadd.s32 @!p0 $0xFFFFFF60  }
0x100: {  	_ =	sfence.sel $0x180000  }
0x101: {  	[bflag:$0x0] =	sbarrier.arrive $0xFFFF  }
0x102: {  	_ =	strace $0x90000047  }
0x103: {  	s0 =	stileid.u32;
	[bflag:$0x2] =	sbarrier.arrive $0xFFFF  }
0x104: {  	p0 =	sne.s32 s0, $0x0;
	s0 =	rddreg [dreg:$0x4]  }
0x105: {  	s0 =	sadd.s32 @!p0 $0x100000, s0  }
0x106: {  	[sflag:s0] =	ssyncadd.tile.s32 @!p0 $0x1;
	_ =	shalt  }
.Lfunc_end2:
_tile_overlayer_lowered:
.L_overlay_start_2:
0x107: {  	(tag) =	ssettag $0x2  }
0x108: {  	s0 =	rddreg [dreg:$0x0];
	s2 =	stileid.u32  }
0x109: {  	s1 =	rddreg [dreg:$0x1];
	p0 =	sne.s32 s2, $0x0  }
0x10a: {  	s3 =	rddreg [dreg:$0x2];
	[bflag:$0x3] =	sbarrier.arrive $0xFFFF;
	s2 =	simm.s32 @!p0 $0x1C01  }
0x10b: {  	[timem:s3], [sflag:s2] =	dma.local @!p0 [hbm:s0], s1  }
0x10c: {  	s0 =	simm.s32 @!p0 $0x1  }
0x10d: {  	_ =	swait.ge @!p0 [sflag:s0], s1  }
0x10e: {  	s1 =	ssub.s32 @!p0 $0x0, s1;
	[sflag:s0] =	ssyncset.done @!p0 $0x0  }
0x10f: {  	[sflag:s0] =	ssyncadd.s32 @!p0 s1  }
0x110: {  	[bflag:$0x3] =	sbarrier.arrive $0xFFFF  }
0x111: {  	_ =	shalt  }

// kernel: kernel.7.cloned.1.call-start
scs
__scs_entry_jumppad:
0x0: {  	(pc) =	sbr.rel $0x88, $3  }
0x1: {  	(tag) =	ssettag $0x0;
	lr =	simm.s32 $0x1  }
0x2: {  	[smem:$0x3FA0] =	sst lr;
	_ =	strace $0xD0000000  }
0x3: {  	_ = 	snop  }
0x4: {  	_ = 	snop  }
0x5: {  	_ = 	snop  }
0x6: {  	_ = 	snop  }
0x7: {  	_ = 	snop  }
__scs_overlays_trampoline_lowered:
0x8: {  	[smem:$0x3FAF] =	sst s0  }
0x9: {  	[smem:$0x3FB0] =	sst s1  }
0xa: {  	[smem:$0x3FB1] =	sst s2  }
0xb: {  	[smem:$0x3FB2] =	sst s3  }
0xc: {  	[smem:$0x3FB3] =	sst s4  }
0xd: {  	[smem:$0x3FB4] =	sst s5  }
0xe: {  	[smem:$0x3FB5] =	sst s6  }
0xf: {  	[smem:$0x3FB6] =	sst s7  }
0x10: {  	[smem:$0x3FB7] =	sst s8  }
0x11: {  	[smem:$0x3FB8] =	sst s9;
	s0 =	simm.s32 @!p0 $0x0  }
0x12: {  	s1 =	sld [smem:$0x3F9E];
	s0 =	simm.s32 @p0 $0x1  }
0x13: {  	[smem:$0x3FB9] =	sst s0;
	s0 =	simm.s32 @!p1 $0x0  }
0x14: {  	s2 =	sld [smem:$0x3F9D];
	s0 =	simm.s32 @p1 $0x1  }
0x15: {  	[smem:$0x3FBA] =	sst s0;
	s0 =	simm.s32 @!p2 $0x0  }
0x16: {  	s3 =	sld [smem:$0x3FDB];
	s0 =	simm.s32 @p2 $0x1  }
0x17: {  	s4 =	simm.s32 $0x1BF5;
	[smem:$0x3FBC] =	sst s0  }
0x18: {  	s0 =	sld [smem:$0x3F9F];
	_ =	swait.ge [sflag:s4], $0x0  }
0x19: {  	s7 =	sld [smem:$0x3FA0]  }
0x1a: {  	s8 =	sadd.s32 $0xFFFFE003, lr  }
0x1b: {  	s9 =	sadd.s32 $0xFFFFFEF7, lr;
	s5 =	simm.s32 $0xFFFFFFFF;
	p2 =	slt.u32 s8, $0xFFFFF086  }
0x1c: {  	p1 =	slt.u32 s9, $0xF7A;
	s5 =	simm.s32 @!p2 $0x0  }
0x1d: {  	s5 =	simm.s32 @p1 $0x1;
	p0 =	seq.s32 s7, s2  }
0x1e: {  	s7 =	smul.u32 @!p0 $0xF7A, s2;
	p2 =	seq.s32 @!p0 s5, $0x0  }
0x1f: {  	s9 =	smul.u32 $0xF7A, s1;
	s8 =	simm.s32 @!p0 $0x1BF5;
	p2 =	por !p2, p0  }
0x20: {  	[sflag:s8] =	ssyncset.s32 @!p0 $0xFFFFF086;
	s6 =	sadd.s32 @!p0 s3, s7;
	s7 =	simm.s32 @!p0 $0x108  }
0x21: {  	s3 =	sadd.s32 s3, s9;
	s6 =	sadd.s32 @!p0 $0x88, s6;
	s7 =	simm.s32 @p2 $0x1082  }
0x22: {  	[simem:s7], [sflag:s8] =	dma.local @!p0 [hbm:s6], $0xF7A  }
0x23: {  	s9 =	sor.u32 $0xD0000000, s2;
	s6 =	simm.s32 $0x108;
	_ =	swait.ge @!p0 [sflag:s8], $0x0  }
0x24: {  	s3 =	sadd.s32 $0x88, s3;
	s6 =	simm.s32 @!p1 $0x1082;
	[sflag:s4] =	ssyncset.s32 $0xFFFFF086  }
0x25: {  	[simem:s6], [sflag:s4] =	dma.local [hbm:s3], $0xF7A  }
0x26: {  	[smem:$0x3FA0] =	sst s1;
	(tag) =	ssettag s2;
	_ =	strace s9  }
0x27: {  	s1 =	sld [smem:$0x3FB0]  }
0x28: {  	s2 =	sld [smem:$0x3FB1]  }
0x29: {  	s4 =	sld [smem:$0x3FB3]  }
0x2a: {  	p0 =	seq.s32 s5, $0x0;
	s5 =	sld [smem:$0x3FB4]  }
0x2b: {  	s6 =	sld [smem:$0x3FB5]  }
0x2c: {  	s7 =	sld [smem:$0x3FB6]  }
0x2d: {  	s3 =	simm.s32 $0x108;
	s8 =	sld [smem:$0x3FB7]  }
0x2e: {  	s3 =	simm.s32 @!p0 $0x1082;
	s9 =	sld [smem:$0x3FB8]  }
0x2f: {  	lr =	sadd.s32 s0, s3;
	s0 =	sld [smem:$0x3FAF]  }
0x30: {  	s3 =	sld [smem:$0x3FB2]  }
0x31: {  	[smem:$0x3FBB] =	sst s10  }
0x32: {  	s10 =	sld [smem:$0x3FB9];
	_ =	sdelay $0x3  }
0x33: {  	p0 =	seq.s32 s10, $0x1;
	s10 =	sld [smem:$0x3FBB];
	_ =	sdelay $0x3  }
0x34: {  	[smem:$0x3FBB] =	sst s10  }
0x35: {  	s10 =	sld [smem:$0x3FBA];
	_ =	sdelay $0x3  }
0x36: {  	p1 =	seq.s32 s10, $0x1;
	s10 =	sld [smem:$0x3FBB];
	_ =	sdelay $0x3  }
0x37: {  	[smem:$0x3FBB] =	sst s10  }
0x38: {  	s10 =	sld [smem:$0x3FBC]  }
0x39: {  	_ = 	snop;
	(pc) =	sbr.ind lr, $3  }
0x3a: {  	_ = 	snop  }
0x3b: {  	_ = 	snop  }
0x3c: {  	p2 =	seq.s32 s10, $0x1;
	s10 =	sld [smem:$0x3FBB]  }
0x3d: {  	_ =	shalt  }
0x3e: {  	_ =	shalt  }
0x3f: {  	_ =	shalt  }
0x40: {  	_ =	shalt  }
0x41: {  	_ =	shalt  }
0x42: {  	_ =	shalt  }
0x43: {  	_ =	shalt  }
0x44: {  	_ =	shalt  }
0x45: {  	_ =	shalt  }
0x46: {  	_ =	shalt  }
0x47: {  	_ =	shalt  }
0x48: {  	_ =	shalt  }
0x49: {  	_ =	shalt  }
0x4a: {  	_ =	shalt  }
0x4b: {  	_ =	shalt  }
0x4c: {  	_ =	shalt  }
0x4d: {  	_ =	shalt  }
0x4e: {  	_ =	shalt  }
0x4f: {  	_ =	shalt  }
0x50: {  	_ =	shalt  }
0x51: {  	_ =	shalt  }
0x52: {  	_ =	shalt  }
0x53: {  	_ =	shalt  }
0x54: {  	_ =	shalt  }
0x55: {  	_ =	shalt  }
0x56: {  	_ =	shalt  }
0x57: {  	_ =	shalt  }
0x58: {  	_ =	shalt  }
0x59: {  	_ =	shalt  }
0x5a: {  	_ =	shalt  }
0x5b: {  	_ =	shalt  }
0x5c: {  	_ =	shalt  }
0x5d: {  	_ =	shalt  }
0x5e: {  	_ =	shalt  }
0x5f: {  	_ =	shalt  }
0x60: {  	_ =	shalt  }
0x61: {  	_ =	shalt  }
0x62: {  	_ =	shalt  }
0x63: {  	_ =	shalt  }
0x64: {  	_ =	shalt  }
0x65: {  	_ =	shalt  }
0x66: {  	_ =	shalt  }
0x67: {  	_ =	shalt  }
0x68: {  	_ =	shalt  }
0x69: {  	_ =	shalt  }
0x6a: {  	_ =	shalt  }
0x6b: {  	_ =	shalt  }
0x6c: {  	_ =	shalt  }
0x6d: {  	_ =	shalt  }
0x6e: {  	_ =	shalt  }
0x6f: {  	_ =	shalt  }
0x70: {  	_ =	shalt  }
0x71: {  	_ =	shalt  }
0x72: {  	_ =	shalt  }
0x73: {  	_ =	shalt  }
0x74: {  	_ =	shalt  }
0x75: {  	_ =	shalt  }
0x76: {  	_ =	shalt  }
0x77: {  	_ =	shalt  }
0x78: {  	_ =	shalt  }
0x79: {  	_ =	shalt  }
0x7a: {  	_ =	shalt  }
0x7b: {  	_ =	shalt  }
0x7c: {  	_ =	shalt  }
0x7d: {  	_ =	shalt  }
0x7e: {  	_ =	shalt  }
0x7f: {  	_ =	shalt  }
0x80: {  	_ =	shalt  }
0x81: {  	_ =	shalt  }
0x82: {  	_ =	shalt  }
0x83: {  	_ =	shalt  }
0x84: {  	_ =	shalt  }
0x85: {  	_ =	shalt  }
0x86: {  	_ =	shalt  }
0x87: {  	_ =	shalt  }
.Lfunc_end0:
.L_simem_size_0:
called_computation.1_lowered:
.L_overlay_start_0:
0x88: {  	s2 =	sld [smem:$0x3FD9]  }
0x89: {  	s3 =	sld [smem:$0x3FFE];
	_ =	sdelay $0x1  }
0x8a: {  	s1 =	srdreg.scid  }
0x8b: {  	s0 =	sand.u32 $0x1, s1  }
0x8c: {  	s14 =	sshll.u32 s0, $0xA;
	s2 =	sadd.s32 s3, s2  }
0x8d: {  	s2 =	sadd.s32 s2, s14  }
0x8e: {  	[smem:$0x3FC7] =	sst s2  }
0x8f: {  	_ = 	snop  }
0x90: {  	s2 =	sld [smem:$0x3FD0];
	_ =	sdelay $0x2  }
0x91: {  	s15 =	simm.s32 $0xA;
	s4 =	simm.s32 $0x10  }
0x92: {  	[smem:s4], [sflag:s15] =	dma.local [hbm:s2], $0x1  }
0x93: {  	_ =	swait.eq [sflag:s15], $0x1  }
0x94: {  	[sflag:s15] =	ssyncset.done $0x0  }
0x95: {  	s16 =	sld [smem:$0x10];
	[sflag:s15] =	ssyncadd.s32 $0xFFFFFFFF  }
0x96: {  	s17 =	sld [smem:$0x11];
	(tm) =	ssettm $0x1  }
0x97: {  	s18 =	sld [smem:$0x3FFB];
	_ =	sdelay $0x3  }
0x98: {  	_ =	strace s18  }
0x99: {  	s4 =	sld [smem:$0x3FFC];
	_ =	sdelay $0x3  }
0x9a: {  	_ =	strace s4  }
0x9b: {  	s4 =	sld [smem:$0x3FFD];
	_ =	sdelay $0x3  }
0x9c: {  	_ =	strace s4  }
0x9d: {  	_ =	strace $0x8FFFFFFF  }
0x9e: {  	s19 =	sld [smem:$0x3FDB];
	_ =	sdelay $0x1  }
0x9f: {  	s5 =	simm.s32 $_scs_section_size  }
0xa0: {  	s6 =	simm.s32 $_size__tile_overlayer_lowered;
	s7 =	simm.s32 $_tile_overlayer_lowered  }
0xa1: {  	s22 =	simm.s32 $0x1BFF;
	s21 =	sshll.u32 s7, $0x1;
	s4 =	sadd.s32 s5, s19  }
0xa2: {  	s8 =	simm.s32 $0x0;
	s20 =	sshll.u32 s6, $0x1;
	s6 =	sadd.s32 s21, s4  }
0xa3: {  	[timem:s8], [sflag:s22] =	dma.local [hbm:s6], s20  }
0xa4: {  	_ =	swait.ge [sflag:s22], s20  }
0xa5: {  	s5 =	ssub.s32 $0x0, s20;
	[sflag:s22] =	ssyncset.done $0x0  }
0xa6: {  	[sflag:s22] =	ssyncadd.s32 s5;
	_ =	sdelay $0x1  }
0xa7: {  	s23 =	simm.s32 $0x1B8B  }
0xa8: {  	_ =	swait.ge [sflag:s23], $0x1  }
0xa9: {  	[sflag:s23] =	ssyncset.done $0x0  }
0xaa: {  	s25 =	simm.s32 $0x1B8E;
	s24 =	sld [smem:$0x3FFE];
	[sflag:s23] =	ssyncadd.s32 $0xFFFFFFFF  }
0xab: {  	s26 =	simm.s32 $execute0_lowered;
	[smem:$0x3FD2] =	sst s25  }
0xac: {  	s6 =	sshll.u32 s26, $0x1;
	_ =	strace $0x80000049;
	[dreg:$0x1] =	wrdreg $0xFFFFFFFF  }
0xad: {  	s28 =	simm.s32 $_size_execute0_lowered;
	s4 =	sadd.s32 s4, s6;
	[dreg:$0x0] =	wrdreg $0x0  }
0xae: {  	s6 =	sshll.u32 s28, $0x1;
	[dreg:$0x2] =	wrdreg s4  }
0xaf: {  	[dreg:$0x3] =	wrdreg s6  }
0xb0: {  	[dreg:$0x4] =	wrdreg $0xC0  }
0xb1: {  	_ =	task [dreg:s8], $0x5FFFF  }
0xb2: {  	[dreg:$0x1] =	wrdreg $0xFFFFFFFF  }
0xb3: {  	[dreg:$0x0] =	wrdreg $0x60  }
0xb4: {  	[dreg:$0x2] =	wrdreg s24  }
0xb5: {  	[dreg:$0x3] =	wrdreg s17  }
0xb6: {  	[dreg:$0x4] =	wrdreg s16  }
0xb7: {  	[dreg:$0x5] =	wrdreg $0xBA200  }
0xb8: {  	[dreg:$0x6] =	wrdreg $0x9  }
0xb9: {  	_ =	task.clear_ibuf [dreg:s8], $0x7FFFF;
	_ =	strace $0x90000049  }
0xba: {  	s29 =	simm.s32 $0x9;
	_ =	strace $0x8000004B  }
0xbb: {  	_ =	swait.ge [sflag:s29], $0x1  }
0xbc: {  	[sflag:s29] =	ssyncadd.s32 $0xFFFFFFFF  }
0xbd: {  	_ =	strace $0x9000004B  }
0xbe: {  	_ =	sfence  }
0xbf: {  	s30 =	sld [smem:$0x0];
	_ =	sdelay $0x2  }
0xc0: {  	s31 =	sshll.u32 s1, $0xD;
	s1 =	sshrl.u32 s1, $0x2  }
0xc1: {  	s3 =	sand.u32 $0x4000, s31;
	s1 =	sadd.s32 s1, s30  }
0xc2: {  	s0 =	sor.u32 s3, s0;
	s1 =	sshll.u32 s1, $0x11  }
0xc3: {  	s0 =	sor.u32 s1, s0  }
0xc4: {  	s0 =	sadd.s32 $0x8F2B, s0  }
0xc5: {  	[sflag:s0] =	ssyncadd.remote.s32 $0x1  }
0xc6: {  	_ =	sfence.sel $0xFFFF  }
0xc7: {  	[dreg:$0x0] =	wrdreg $0xFFFFFFFF;
	(pc) =	sbr.abs _section_cstart, $3  }
0xc8: {  	[dreg:$0x1] =	wrdreg $0xFFFFFFFF  }
0xc9: {  	_ =	task.clear_ibuf [dreg:s8], $0x2FFFF;
	_ =	strace $0x9FFFFFFF  }
0xca: {  	(tm) =	ssettm $0x7FFFFFFF  }
0xcb: {  	_ =	shalt  }
tec
execute0_lowered:
.L_overlay_start_1:
0x0: {  	(tag) =	ssettag $0x1  }
0x1: {  	s0 =	rddreg [dreg:$0x0]  }
0x2: {  	s1 =	rddreg [dreg:$0x1]  }
0x3: {  	s2 =	srdreg.scid;
	s5 =	rddreg [dreg:$0x2]  }
0x4: {  	s11 =	stileid.u32;
	s13 =	rddreg [dreg:$0x3]  }
0x5: {  	s18 =	simm.s32 $0x6200;
	s19 =	simm.s32 $0x1;
	s12 =	sand.u32 $0x7, s11  }
0x6: {  	s20 =	simm.s32 $0x80;
	s21 =	simm.s32 $0x200;
	s7 =	smul.u32 $0xC00, s12  }
0x7: {  	s22 =	simm.s32 $0x1900;
	s28 =	simm.s32 $0x0;
	s9 =	smul.u32 $0x186A, s12  }
0x8: {  	s4 =	sand.u32 $0x1, s2;
	s3 =	sshrl.u32 s11, $0x3;
	s14 =	smul.u32 $0x8C0, s12  }
0x9: {  	s2 =	sshll.u32 s4, $0x1;
	s4 =	ssub.s32 $0x2, s4;
	s17 =	smul.u32 $0x2300, s12  }
0xa: {  	s12 =	smul.u32 $0x14, s12;
	s8 =	sor.u32 s3, s2;
	s2 =	simm.s32 $0x0  }
0xb: {  	s3 =	sadd.s32 $0x282800, s0;
	s23 =	sshrl.u32 s4, $0x1;
	s6 =	smul.u32 $0x6000, s8  }
0xc: {  	[smem:$0x7FF] =	sst s2;
	s15 =	ssub.s32 s4, s23;
	s24 =	smul.u32 $0x14, s8  }
0xd: {  	s4 =	sand.u32 $0x8, s11;
	s16 =	sshrl.u32 s9, $0x7;
	s11 =	smul.u32 $0x11800, s11  }
0xe: {  	s10 =	sshll.u32 s8, $0x7;
	s26 =	smul.u32 $0x4600, s8;
	s31 =	sshrl.u32 s17, $0x2  }
0xf: {  	s17 =	simm.s32 $0x3;
	s23 =	simm.s32 $0x2;
	_ =	strace $0x8000004A  }
0x10: {  	s25 =	sshll.u32 s16, $0x9;
	s15 =	smax.u32 s15, $0x1;
	s6 =	sadd.s32 s7, s6  }
0x11: {  	s7 =	sor.u32 s10, s25;
	s8 =	sadd.s32 s1, s24;
	s6 =	sshrl.u32 s6, $0x3  }
0x12: {  	s30 =	sshrl.u32 s11, $0x2;
	s24 =	simm.s32 $0x62A0;
	s0 =	sadd.s32 s6, s0  }
0x13: {  	s25 =	simm.s32 $0xA8A0;
	s29 =	sshrl.u32 s7, $0x3;
	s6 =	sadd.s32 $0x13600, s0  }
0x14: {  	[dreg:$0x5] =	wrdreg s6;
	s6 =	sadd.s32 $0x16600, s0;
	s0 =	sadd.s32 s14, s26  }
0x15: {  	s10 =	sadd.s32 $0x61C00, s7;
	s11 =	sadd.s32 s30, s13;
	s0 =	sshrl.u32 s0, $0x3  }
0x16: {  	v1 =	vimm.f32 $0.0e+00;
	v2 =	vimm.s32 $0x0;
	v0 =	vmov s16;
	s13 =	sadd.s32 s31, s13;
	s9 =	sadd.s32 s3, s29;
	s14 =	sadd.s32 s5, s0  }
.LBB2_1:
0x17: {  	s0 =	simm.s32 $0x0;
	s1 =	simm.s32 $0x1C0  }
.LBB2_2:
0x18: {  	p0 =	sne.s32 s1, $0x11640;
	[tilespmem:s0+$0x6300] =	vst v1  }
0x19: {  	[tilespmem:s0+$0x62A0] =	vst v1  }
.Ltmp0:
0x1a: {  	[tilespmem:s0+$0x62B0] =	vst v1;
	(pc) =	sbr.rel @p0 .LBB2_2-.Ltmp0, $4  }
0x1b: {  	[tilespmem:s0+$0x62C0] =	vst v1  }
0x1c: {  	[tilespmem:s0+$0x62D0] =	vst v1  }
0x1d: {  	[tilespmem:s0+$0x62E0] =	vst v1  }
0x1e: {  	[tilespmem:s0+$0x62F0] =	vst v1;
	s0 =	sshra.s32 s1, $0x2;
	s1 =	sadd.s32 $0x1C0, s1  }
0x1f: {  	[tilespmem:s0+$0x6300] =	vst v1  }
0x20: {  	[tilespmem:s0+$0x62A0] =	vst v1  }
0x21: {  	[tilespmem:s0+$0x62B0] =	vst v1  }
0x22: {  	[tilespmem:s0+$0x62C0] =	vst v1  }
0x23: {  	[tilespmem:s0+$0x62D0] =	vst v1  }
0x24: {  	[tilespmem:s0+$0x62E0] =	vst v1  }
0x25: {  	[tilespmem:s0+$0x62F0] =	vst v1;
	s0 =	simm.s32 $0x0;
	s1 =	rddreg [dreg:$0x5];
	s5 =	simm.s32 $0x3200  }
0x26: {  	[tilespmem:s5], [sflag:$0x3] =	stream.linear.gather [hbm4b:s1+s0], $0xC00, $0x38;
	[tilespmem:$0x10020] =	vst v63  }
0x27: {  	_ =	swait.ge [sflag:s17], $0xC00  }
0x28: {  	[sflag:s17] =	ssyncset.done $0x0  }
0x29: {  	s16 =	simm.s32 $0x3E00;
	[sflag:s17] =	ssyncadd.s32 $0xFFFFF400  }
0x2a: {  	[tilespmem:s16], [sflag:$0x3] =	stream.linear.gather [hbm4b:s6+s0], $0xC00, $0x38;
	[tilespmem:$0x10020] =	vst v63  }
0x2b: {  	_ =	swait.ge [sflag:s17], $0xC00  }
0x2c: {  	[sflag:s17] =	ssyncset.done $0x0  }
0x2d: {  	[sflag:s17] =	ssyncadd.s32 $0xFFFFF400  }
0x2e: {  	[tilespmem:s18], [sflag:$0x3] =	stream.linear.gather [hbm4b:s8+s0], $0xA0, $0x38;
	[tilespmem:$0x10020] =	vst v63  }
0x2f: {  	_ =	swait.ge [sflag:s17], $0xA0  }
0x30: {  	[sflag:s17] =	ssyncset.done $0x0  }
0x31: {  	s5 =	simm.s32 $0x1;
	[sflag:s17] =	ssyncadd.s32 $0xFFFFFF60  }
.LBB2_4:
0x32: {  	v3 =	vld [tilespmem:s16+$0x0];
	_ =	sdelay $0x4  }
0x33: {  	vm0 =	veq.s32 v3, $0xFF  }
0x34: {  	v3 =	vsel vm0, $0x1, v2  }
0x35: {  	(xrf0) =	vadd.scan.msk.s32 $0xffff, v3;
	_ =	sdelay $0x5  }
0x36: {  	v3, _, _ =	vpop (xrf0)  }
0x37: {  	(v2sf) =	vpush v3, $0xF;
	_ =	sdelay $0xe  }
0x38: {  	s1 =	smov.u32 s16;
	p0 =	sgt.u32 s0, $0xBE;
	s16 =	spop (v2sf)  }
0x39: {  	p1 =	seq.s32 @!p0 s16, $0x0  }
0x3a: {  	p0 =	por p0, !p1  }
.Ltmp1:
0x3b: {  	_ = 	snop;
	(pc) =	sbr.rel @!p0 .LBB2_4-.Ltmp1, $3  }
0x3c: {  	_ =	sdelay $0x1  }
0x3d: {  	s29 =	smov.u32 s5  }
0x3e: {  	s0 =	sadd.s32 $0x1, s0;
	s5 =	sadd.s32 $0x1, s5;
	s16 =	sadd.s32 $0x10, s1  }
0x3f: {  	v3 =	vld [tilespmem:s1+$0x0];
	_ =	sdelay $0x4  }
0x40: {  	vm0 =	veq.s32 v3, $0xFF  }
0x41: {  	v3 =	vsel vm0, $0x1, v2  }
0x42: {  	(xrf0) =	vadd.scan.msk.s32 $0xffff, v3;
	_ =	sdelay $0x5  }
0x43: {  	v3, _, _ =	vpop (xrf0)  }
0x44: {  	(v2sf) =	vpush v3, $0xF;
	_ =	sdelay $0xe  }
0x45: {  	s31 =	spop (v2sf)  }
0x46: {  	s5 =	simm.s32 $0x1;
	p1 =	sgt.s32 s31, $0x0  }
0x47: {  	s5 =	simm.s32 @!p1 $0x0  }
0x48: {  	p0 =	seq.s32 s5, s0  }
.Ltmp2:
0x49: {  	_ = 	snop;
	(pc) =	sbr.rel @p0 .LBB2_12-.Ltmp2, $3  }
0x4a: {  	_ =	sdelay $0x1  }
0x4b: {  	s1 =	simm.s32 $0xFFFFFFFF  }
0x4c: {  	s1 =	simm.s32 @!p1 $0x0  }
0x4d: {  	s0 =	sadd.s32 s29, s1  }
0x4e: {  	p2 =	sne.s32 s0, $0x1  }
.Ltmp3:
0x4f: {  	_ = 	snop;
	(pc) =	sbr.rel @!p2 .LBB2_7-.Ltmp3, $3  }
0x50: {  	_ =	sdelay $0x1  }
0x51: {  	s5 =	simm.s32 $0x3200;
	s30 =	simm.s32 $0x4A00  }
0x52: {  	s31 =	simm.s32 $0x5600;
	p1 =	por $0x0, $0x0;
	v3 =	vld [tilespmem:s5+$0x0];
	s0 =	sadd.s32 $0xFFFFFFFF, s0  }
0x53: {  	_ =	sdelay $0x3  }
0x54: {  	p2 =	sne.s32 s0, $0x1;
	v4 =	vshrl.u32 v3, $0x7  }
.Ltmp4:
0x55: {  	v4 =	vsub.s32 v4, v0;
	(pc) =	sbr.rel @!p2 .LBB2_9-.Ltmp4, $4  }
0x56: {  	v3 =	vand.u32 $0x7F, v3;
	[tilespmem:s30+$0x0] =	vst v4  }
0x57: {  	s16 =	simm.s32 $0x3210;
	[tilespmem:s31+$0x0] =	vst v3  }
0x58: {  	s26 =	sadd.s32 $0xFFFFFFFF, s0;
	v3 =	vld [tilespmem:s16+$0x0]  }
0x59: {  	p1 =	por $0x1, $0x1;
	s0 =	simm.s32 $0x4A00;
	s5 =	simm.s32 $0x5600  }
.LBB2_10:
0x5a: {  	p2 =	sne.s32 s26, $0x1;
	_ =	sdelay $0x2  }
0x5b: {  	v4 =	vshrl.u32 v3, $0x7;
	v3 =	vand.u32 $0x7F, v3  }
.Ltmp5:
0x5c: {  	s0 =	sadd.s32 $0x10, s0;
	v4 =	vsub.s32 v4, v0;
	(pc) =	sbr.rel @p2 .LBB2_10-.Ltmp5, $4  }
0x5d: {  	s5 =	sadd.s32 $0x10, s5;
	[tilespmem:s0+$0x0] =	vst v4  }
0x5e: {  	s16 =	sadd.s32 $0x10, s16;
	[tilespmem:s5+$0x0] =	vst v3  }
0x5f: {  	v3 =	vld [tilespmem:s16+$0x0]  }
0x60: {  	s26 =	sadd.s32 $0xFFFFFFFF, s26  }
.LBB2_11:
0x61: {  	_ =	sdelay $0x2  }
0x62: {  	s0 =	sadd.s32 @p1 $0x10, s0;
	v4 =	vshrl.u32 v3, $0x7  }
0x63: {  	s30 =	smov.u32 @p1 s0;
	s0 =	sadd.s32 @p1 $0x10, s5;
	v4 =	vsub.s32 v4, v0  }
0x64: {  	s31 =	smov.u32 @p1 s0;
	v3 =	vand.u32 $0x7F, v3;
	[tilespmem:s30+$0x0] =	vst v4  }
0x65: {  	[tilespmem:s31+$0x0] =	vst v3  }
.LBB2_12:
.Ltmp6:
0x66: {  	(pc) =	sbr.rel .LBB2_13-.Ltmp6, $3  }
0x67: {  	_ =	sdelay $0x1  }
0x68: {  	s30 =	simm.s32 $0x0;
	s29 =	sadd.s32 s29, s1  }
0x69: {  	[tilespmem:s30], [sflag:$0x1] =	stream.strided.gather [hbm4b:s9+s20], $0x1900, s21, s20, $0x38;
	[tilespmem:$0x10020] =	vst v63  }
.LBB2_22:
0x6a: {  	s16 =	simm.s32 $0x3E00  }
.LBB2_26:
0x6b: {  	s0 =	sadd.s32 @p1 $0x10, s16  }
0x6c: {  	s1 =	smov.u32 @p1 s0  }
0x6d: {  	v6 =	vand.u32 $0xFFFFFFF8, v4;
	v5 =	vshll.u32 v5, $0x7;
	v7 =	vld [tilespmem:s1+$0x0]  }
0x6e: {  	v62 =	vand.u32 $0x7, v4;
	v5 =	vadd.s32 v5, v6  }
0x6f: {  	v4 =	vor.u32 v62, v5;
	_ =	sdelay $0x2  }
0x70: {  	v63 =	vmul.u32 $0x70, v7;
	_ =	sdelay $0x1  }
0x71: {  	v4 =	vld.idx.msk [tilespmem:v4+s22+$0x0], $0xffff;
	v3 =	vadd.s32 v3, v63;
	_ =	sdelay $0x4  }
0x72: {  	[tilespmem:v3+s24+$0x0] =	vst.idx.add.f32.msk $0xffff, v4  }
.LBB2_27:
0x73: {  	s30 =	sadd.s32 $0x1, s30  }
0x74: {  	p1 =	sne.s32 s30, $0x32  }
.Ltmp7:
0x75: {  	_ = 	snop;
	(pc) =	sbr.rel @!p1 .LBB2_28-.Ltmp7, $1  }
0x76: {  	_ =	sdelay $0x3  }
.LBB2_13:
0x77: {  	s31 =	sshllo.u32 s30, $0x1  }
0x78: {  	s0 =	smul.u32 $0x30E00, s31  }
.Ltmp8:
0x79: {  	_ = 	snop;
	(pc) =	sbr.rel @p0 .LBB2_20-.Ltmp8, $4  }
0x7a: {  	_ =	swait.ge [sflag:s19], $0x1900;
	s0 =	sadd.s32 s7, s0  }
0x7b: {  	[sflag:s19] =	ssyncset.done $0x0;
	s0 =	sshrl.u32 s0, $0x3  }
0x7c: {  	[sflag:s19] =	ssyncadd.s32 $0xFFFFE700;
	s0 =	sadd.s32 s3, s0  }
0x7d: {  	[tilespmem:s22], [sflag:$0x2] =	stream.strided.gather [hbm4b:s0+s20], $0x1900, s21, s20, $0x38;
	[tilespmem:$0x10020] =	vst v63  }
0x7e: {  	p2 =	sne.s32 s29, $0x1  }
.Ltmp9:
0x7f: {  	_ = 	snop;
	(pc) =	sbr.rel @!p2 .LBB2_15-.Ltmp9, $4  }
0x80: {  	s0 =	sshll.u32 s30, $0x1  }
0x81: {  	s26 =	simm.s32 $0x4A00;
	v3 =	vmov s0  }
0x82: {  	s5 =	simm.s32 $0x5600;
	v5 =	vld [tilespmem:s26+$0x0];
	v3 =	vand.u32 $0x7E, v3  }
0x83: {  	s1 =	simm.s32 $0x3E00;
	p1 =	por $0x0, $0x0;
	v4 =	vld [tilespmem:s5+$0x0];
	s5 =	sadd.s32 $0xFFFFFFFF, s29;
	v3 =	vbroadcast v3, $0x0  }
0x84: {  	_ =	sdelay $0x3  }
0x85: {  	v7 =	vld [tilespmem:s1+$0x0];
	v5 =	vshll.u32 v5, $0x7;
	v6 =	vand.u32 $0xFFFFFFF8, v4  }
0x86: {  	v4 =	vand.u32 $0x7, v4;
	v5 =	vadd.s32 v5, v6  }
0x87: {  	v4 =	vor.u32 v4, v5;
	_ =	sdelay $0x2  }
0x88: {  	v5 =	vmul.u32 $0x70, v7;
	_ =	sdelay $0x1  }
0x89: {  	v5 =	vadd.s32 v3, v5;
	v4 =	vld.idx.msk [tilespmem:v4+s2+$0x0], $0xffff;
	_ =	sdelay $0x1  }
0x8a: {  	p2 =	sne.s32 s5, $0x1  }
.Ltmp10:
0x8b: {  	_ = 	snop;
	(pc) =	sbr.rel @!p2 .LBB2_17-.Ltmp10, $4  }
0x8c: {  	_ = 	snop  }
0x8d: {  	s0 =	simm.s32 $0x4A10;
	[tilespmem:v5+s24+$0x0] =	vst.idx.add.f32.msk $0xffff, v4  }
0x8e: {  	s26 =	simm.s32 $0x5610;
	v5 =	vld [tilespmem:s0+$0x0]  }
0x8f: {  	s5 =	sadd.s32 $0xFFFFFFFF, s5;
	p1 =	por $0x1, $0x1;
	s16 =	simm.s32 $0x3E00;
	v4 =	vld [tilespmem:s26+$0x0]  }
.LBB2_18:
0x90: {  	p2 =	sne.s32 s5, $0x1;
	_ =	sdelay $0x3  }
0x91: {  	s16 =	sadd.s32 $0x10, s16;
	v5 =	vshll.u32 v5, $0x7;
	v6 =	vand.u32 $0xFFFFFFF8, v4  }
0x92: {  	v4 =	vand.u32 $0x7, v4;
	v5 =	vadd.s32 v5, v6;
	v6 =	vld [tilespmem:s16+$0x0]  }
0x93: {  	v4 =	vor.u32 v4, v5;
	_ =	sdelay $0x3  }
0x94: {  	v5 =	vmul.u32 $0x70, v6  }
0x95: {  	v4 =	vld.idx.msk [tilespmem:v4+s2+$0x0], $0xffff  }
0x96: {  	v5 =	vadd.s32 v3, v5;
	_ =	sdelay $0x2  }
.Ltmp11:
0x97: {  	(pc) =	sbr.rel @p2 .LBB2_18-.Ltmp11, $4  }
0x98: {  	_ = 	snop  }
0x99: {  	s0 =	sadd.s32 $0x10, s0;
	[tilespmem:v5+s24+$0x0] =	vst.idx.add.f32.msk $0xffff, v4  }
0x9a: {  	s26 =	sadd.s32 $0x10, s26;
	v5 =	vld [tilespmem:s0+$0x0]  }
0x9b: {  	s5 =	sadd.s32 $0xFFFFFFFF, s5;
	v4 =	vld [tilespmem:s26+$0x0]  }
.LBB2_19:
0x9c: {  	_ =	sdelay $0x1  }
0x9d: {  	s0 =	sadd.s32 @p1 $0x10, s16  }
0x9e: {  	s1 =	smov.u32 @p1 s0  }
0x9f: {  	v7 =	vld [tilespmem:s1+$0x0];
	v5 =	vshll.u32 v5, $0x7;
	v6 =	vand.u32 $0xFFFFFFF8, v4  }
0xa0: {  	v62 =	vand.u32 $0x7, v4;
	v5 =	vadd.s32 v5, v6  }
0xa1: {  	v4 =	vor.u32 v62, v5;
	_ =	sdelay $0x2  }
0xa2: {  	v63 =	vmul.u32 $0x70, v7;
	_ =	sdelay $0x1  }
0xa3: {  	v3 =	vadd.s32 v3, v63;
	v4 =	vld.idx.msk [tilespmem:v4+s2+$0x0], $0xffff;
	_ =	sdelay $0x4  }
0xa4: {  	[tilespmem:v3+s24+$0x0] =	vst.idx.add.f32.msk $0xffff, v4  }
.LBB2_20:
0xa5: {  	s0 =	smul.u32 $0x61C00, s30  }
.Ltmp12:
0xa6: {  	_ = 	snop;
	(pc) =	sbr.rel @p0 .LBB2_27-.Ltmp12, $4  }
0xa7: {  	_ =	swait.ge [sflag:s23], $0x1900;
	s0 =	sadd.s32 s0, s10  }
0xa8: {  	[sflag:s23] =	ssyncset.done $0x0;
	s0 =	sshrl.u32 s0, $0x3  }
0xa9: {  	[sflag:s23] =	ssyncadd.s32 $0xFFFFE700;
	s0 =	sadd.s32 s3, s0  }
0xaa: {  	[tilespmem:s2], [sflag:$0x1] =	stream.strided.gather [hbm4b:s0+s20], $0x1900, s21, s20, $0x38;
	[tilespmem:$0x10020] =	vst v63  }
0xab: {  	p2 =	sne.s32 s29, $0x1  }
.Ltmp13:
0xac: {  	s0 =	simm.s32 $0x4A00;
	(pc) =	sbr.rel @!p2 .LBB2_22-.Ltmp13, $4  }
0xad: {  	s5 =	simm.s32 $0x5600;
	v5 =	vld [tilespmem:s0+$0x0]  }
0xae: {  	v3 =	vmov s31;
	v4 =	vld [tilespmem:s5+$0x0]  }
0xaf: {  	v3 =	vand.u32 $0x7F, v3  }
0xb0: {  	s1 =	simm.s32 $0x3E00;
	p1 =	por $0x0, $0x0;
	s5 =	sadd.s32 $0xFFFFFFFF, s29;
	v3 =	vbroadcast v3, $0x0  }
0xb1: {  	_ =	sdelay $0x1  }
0xb2: {  	v7 =	vld [tilespmem:s1+$0x0];
	v5 =	vshll.u32 v5, $0x7;
	v6 =	vand.u32 $0xFFFFFFF8, v4  }
0xb3: {  	v4 =	vand.u32 $0x7, v4;
	v5 =	vadd.s32 v5, v6  }
0xb4: {  	v4 =	vor.u32 v4, v5;
	_ =	sdelay $0x2  }
0xb5: {  	v5 =	vmul.u32 $0x70, v7;
	_ =	sdelay $0x1  }
0xb6: {  	v5 =	vadd.s32 v3, v5;
	v4 =	vld.idx.msk [tilespmem:v4+s22+$0x0], $0xffff;
	_ =	sdelay $0x3  }
0xb7: {  	p2 =	sne.s32 s5, $0x1  }
.Ltmp14:
0xb8: {  	s0 =	simm.s32 $0x4A10;
	[tilespmem:v5+s24+$0x0] =	vst.idx.add.f32.msk $0xffff, v4;
	(pc) =	sbr.rel @!p2 .LBB2_24-.Ltmp14, $3  }
0xb9: {  	s26 =	simm.s32 $0x5610;
	v5 =	vld [tilespmem:s0+$0x0]  }
0xba: {  	v4 =	vld [tilespmem:s26+$0x0];
	_ =	sdelay $0x1  }
0xbb: {  	s5 =	sadd.s32 $0xFFFFFFFF, s5;
	p1 =	por $0x1, $0x1;
	s16 =	simm.s32 $0x3E00  }
.LBB2_25:
0xbc: {  	p2 =	sne.s32 s5, $0x1;
	_ =	sdelay $0x3  }
0xbd: {  	v6 =	vand.u32 $0xFFFFFFF8, v4;
	v5 =	vshll.u32 v5, $0x7;
	s16 =	sadd.s32 $0x10, s16  }
0xbe: {  	v4 =	vand.u32 $0x7, v4;
	v5 =	vadd.s32 v5, v6;
	v6 =	vld [tilespmem:s16+$0x0]  }
0xbf: {  	v4 =	vor.u32 v4, v5;
	_ =	sdelay $0x3  }
0xc0: {  	v5 =	vmul.u32 $0x70, v6  }
0xc1: {  	v4 =	vld.idx.msk [tilespmem:v4+s22+$0x0], $0xffff  }
0xc2: {  	v5 =	vadd.s32 v3, v5;
	_ =	sdelay $0x2  }
.Ltmp15:
0xc3: {  	(pc) =	sbr.rel @p2 .LBB2_25-.Ltmp15, $4  }
0xc4: {  	_ = 	snop  }
0xc5: {  	s0 =	sadd.s32 $0x10, s0;
	[tilespmem:v5+s24+$0x0] =	vst.idx.add.f32.msk $0xffff, v4  }
0xc6: {  	s26 =	sadd.s32 $0x10, s26;
	v5 =	vld [tilespmem:s0+$0x0]  }
0xc7: {  	s5 =	sadd.s32 $0xFFFFFFFF, s5;
	v4 =	vld [tilespmem:s26+$0x0]  }
.Ltmp16:
0xc8: {  	_ = 	snop;
	(pc) =	sbr.rel .LBB2_26-.Ltmp16, $1  }
0xc9: {  	_ =	sdelay $0x3  }
.LBB2_15:
.Ltmp17:
0xca: {  	(pc) =	sbr.rel .LBB2_19-.Ltmp17, $2  }
0xcb: {  	_ =	sdelay $0x2  }
0xcc: {  	s16 =	simm.s32 $0x3E00  }
.LBB2_17:
.Ltmp18:
0xcd: {  	(pc) =	sbr.rel .LBB2_19-.Ltmp18, $2  }
0xce: {  	_ =	sdelay $0x2  }
0xcf: {  	s16 =	simm.s32 $0x3E00  }
.LBB2_24:
.Ltmp19:
0xd0: {  	(pc) =	sbr.rel .LBB2_26-.Ltmp19, $2  }
0xd1: {  	_ =	sdelay $0x2  }
0xd2: {  	s16 =	simm.s32 $0x3E00  }
.LBB2_28:
.Ltmp20:
0xd3: {  	(pc) =	sbr.rel @p0 .LBB2_35-.Ltmp20, $4  }
0xd4: {  	_ = 	snop  }
0xd5: {  	_ =	swait.ge [sflag:s19], $0x1900  }
0xd6: {  	[sflag:s19] =	ssyncset.done $0x0  }
0xd7: {  	[sflag:s19] =	ssyncadd.s32 $0xFFFFE700  }
0xd8: {  	p1 =	sne.s32 s29, $0x1  }
.Ltmp21:
0xd9: {  	_ = 	snop;
	(pc) =	sbr.rel @!p1 .LBB2_30-.Ltmp21, $4  }
0xda: {  	_ = 	snop  }
0xdb: {  	s0 =	simm.s32 $0x4A00  }
0xdc: {  	s5 =	simm.s32 $0x5600;
	v4 =	vld [tilespmem:s0+$0x0]  }
0xdd: {  	s1 =	simm.s32 $0x3E00;
	p0 =	por $0x0, $0x0;
	v3 =	vld [tilespmem:s5+$0x0];
	s5 =	sadd.s32 $0xFFFFFFFF, s29  }
0xde: {  	_ =	sdelay $0x3  }
0xdf: {  	v6 =	vld [tilespmem:s1+$0x0];
	v4 =	vshll.u32 v4, $0x7;
	v5 =	vand.u32 $0xFFFFFFF8, v3  }
0xe0: {  	v3 =	vand.u32 $0x7, v3;
	v4 =	vadd.s32 v4, v5  }
0xe1: {  	v3 =	vor.u32 v3, v4;
	_ =	sdelay $0x2  }
0xe2: {  	v4 =	vmul.u32 $0x70, v6;
	_ =	sdelay $0x1  }
0xe3: {  	v4 =	vadd.s32 $0x64, v4;
	v3 =	vld.idx.msk [tilespmem:v3+s2+$0x0], $0xffff;
	_ =	sdelay $0x1  }
0xe4: {  	p1 =	sne.s32 s5, $0x1  }
.Ltmp22:
0xe5: {  	_ = 	snop;
	(pc) =	sbr.rel @!p1 .LBB2_32-.Ltmp22, $4  }
0xe6: {  	_ = 	snop  }
0xe7: {  	s0 =	simm.s32 $0x4A10;
	[tilespmem:v4+s24+$0x0] =	vst.idx.add.f32.msk $0xffff, v3  }
0xe8: {  	s26 =	simm.s32 $0x5610;
	v4 =	vld [tilespmem:s0+$0x0]  }
0xe9: {  	s5 =	sadd.s32 $0xFFFFFFFF, s5;
	p0 =	por $0x1, $0x1;
	s16 =	simm.s32 $0x3E00;
	v3 =	vld [tilespmem:s26+$0x0]  }
.LBB2_33:
0xea: {  	p1 =	sne.s32 s5, $0x1;
	_ =	sdelay $0x3  }
0xeb: {  	s16 =	sadd.s32 $0x10, s16;
	v4 =	vshll.u32 v4, $0x7;
	v5 =	vand.u32 $0xFFFFFFF8, v3  }
0xec: {  	v3 =	vand.u32 $0x7, v3;
	v4 =	vadd.s32 v4, v5;
	v5 =	vld [tilespmem:s16+$0x0]  }
0xed: {  	v3 =	vor.u32 v3, v4;
	_ =	sdelay $0x3  }
0xee: {  	v4 =	vmul.u32 $0x70, v5  }
0xef: {  	v3 =	vld.idx.msk [tilespmem:v3+s2+$0x0], $0xffff  }
0xf0: {  	v4 =	vadd.s32 $0x64, v4;
	_ =	sdelay $0x2  }
.Ltmp23:
0xf1: {  	(pc) =	sbr.rel @p1 .LBB2_33-.Ltmp23, $4  }
0xf2: {  	_ = 	snop  }
0xf3: {  	s0 =	sadd.s32 $0x10, s0;
	[tilespmem:v4+s24+$0x0] =	vst.idx.add.f32.msk $0xffff, v3  }
0xf4: {  	s26 =	sadd.s32 $0x10, s26;
	v4 =	vld [tilespmem:s0+$0x0]  }
0xf5: {  	s5 =	sadd.s32 $0xFFFFFFFF, s5;
	v3 =	vld [tilespmem:s26+$0x0]  }
.LBB2_34:
0xf6: {  	_ =	sdelay $0x1  }
0xf7: {  	s0 =	sadd.s32 @p0 $0x10, s16  }
0xf8: {  	s1 =	smov.u32 @p0 s0  }
0xf9: {  	v6 =	vld [tilespmem:s1+$0x0];
	v4 =	vshll.u32 v4, $0x7;
	v5 =	vand.u32 $0xFFFFFFF8, v3  }
0xfa: {  	v3 =	vand.u32 $0x7, v3;
	v4 =	vadd.s32 v4, v5  }
0xfb: {  	v3 =	vor.u32 v3, v4;
	_ =	sdelay $0x2  }
0xfc: {  	v63 =	vmul.u32 $0x70, v6;
	_ =	sdelay $0x1  }
0xfd: {  	v4 =	vadd.s32 $0x64, v63;
	v3 =	vld.idx.msk [tilespmem:v3+s2+$0x0], $0xffff;
	_ =	sdelay $0x4  }
0xfe: {  	[tilespmem:v4+s24+$0x0] =	vst.idx.add.f32.msk $0xffff, v3  }
.LBB2_35:
0xff: {  	[spmem:s11] =	stream.linear.scatter [tilespmem:s24], [sflag:$0x3], $0x4600, $0x38;
	[tilespmem:$0x10020] =	vst v63  }
0x100: {  	_ =	swait.ge [sflag:s17], $0x4600  }
0x101: {  	[sflag:s17] =	ssyncset.done $0x0  }
0x102: {  	s29 =	simm.s32 $0x0;
	[sflag:s17] =	ssyncadd.s32 $0xFFFFBA00  }
0x103: {  	s0 =	simm.s32 $0x0;
	s1 =	simm.s32 $0x1C0;
	[bflag:$0x0] =	sbarrier.arrive $0xFFFF  }
.LBB2_36:
0x104: {  	p0 =	sne.s32 s1, $0x2140;
	[tilespmem:s0+$0xB1C0] =	vst v1  }
0x105: {  	[tilespmem:s0+$0xB160] =	vst v1  }
.Ltmp24:
0x106: {  	[tilespmem:s0+$0xB170] =	vst v1;
	(pc) =	sbr.rel @p0 .LBB2_36-.Ltmp24, $4  }
0x107: {  	[tilespmem:s0+$0xB180] =	vst v1  }
0x108: {  	[tilespmem:s0+$0xB190] =	vst v1  }
0x109: {  	[tilespmem:s0+$0xB1A0] =	vst v1  }
0x10a: {  	[tilespmem:s0+$0xB1B0] =	vst v1;
	s0 =	sshra.s32 s1, $0x2;
	s1 =	sadd.s32 $0x1C0, s1  }
0x10b: {  	[tilespmem:s0+$0xB1C0] =	vst v1  }
0x10c: {  	[tilespmem:s0+$0xB160] =	vst v1  }
0x10d: {  	[tilespmem:s0+$0xB170] =	vst v1  }
0x10e: {  	[tilespmem:s0+$0xB180] =	vst v1  }
0x10f: {  	[tilespmem:s0+$0xB190] =	vst v1  }
0x110: {  	[tilespmem:s0+$0xB1A0] =	vst v1  }
0x111: {  	[tilespmem:s0+$0xB1B0] =	vst v1  }
.LBB2_38:
0x112: {  	s0 =	sadd.s32 s4, s29  }
0x113: {  	s0 =	smul.u32 $0x11800, s0;
	_ =	sdelay $0x1  }
0x114: {  	s0 =	sshra.s32 s0, $0x2  }
0x115: {  	s0 =	sadd.s32 s0, s13  }
0x116: {  	[tilespmem:s25], [sflag:$0x3] =	stream.linear.gather [spmem:s0], $0x8C0, $0x38;
	[tilespmem:$0x10020] =	vst v63  }
0x117: {  	_ =	swait.ge [sflag:s17], $0x8C0  }
0x118: {  	[sflag:s17] =	ssyncset.done $0x0  }
0x119: {  	s30 =	simm.s32 $0x0;
	[sflag:s17] =	ssyncadd.s32 $0xFFFFF740  }
0x11a: {  	v9 =	vld [tilespmem:s30+$0xA8A0]  }
0x11b: {  	v8 =	vld [tilespmem:s30+$0xA8B0]  }
0x11c: {  	v7 =	vld [tilespmem:s30+$0xA8C0]  }
0x11d: {  	v6 =	vld [tilespmem:s30+$0xA8D0]  }
0x11e: {  	v5 =	vld [tilespmem:s30+$0xA8E0]  }
0x11f: {  	v4 =	vld [tilespmem:s30+$0xA8F0]  }
0x120: {  	v3 =	vld [tilespmem:s30+$0xA900]  }
0x121: {  	v14 =	vld [tilespmem:s30+$0xB160]  }
0x122: {  	v13 =	vld [tilespmem:s30+$0xB170]  }
0x123: {  	v12 =	vld [tilespmem:s30+$0xB180]  }
0x124: {  	v11 =	vld [tilespmem:s30+$0xB190]  }
0x125: {  	v10 =	vld [tilespmem:s30+$0xB1A0]  }
0x126: {  	s1 =	simm.s32 $0x1C0;
	v14 =	vadd.f32 v9, v14;
	v9 =	vld [tilespmem:s30+$0xB1B0]  }
.LBB2_39:
0x127: {  	s0 =	sshra.s32 s1, $0x2;
	p0 =	sne.s32 s1, $0x2140;
	v13 =	vadd.f32 v8, v13;
	v15 =	vld [tilespmem:s30+$0xB1C0]  }
0x128: {  	v16 =	vld [tilespmem:s0+$0xA8A0];
	[tilespmem:s30+$0xB160] =	vst v14;
	v12 =	vadd.f32 v7, v12  }
0x129: {  	v8 =	vld [tilespmem:s0+$0xA8B0];
	[tilespmem:s30+$0xB170] =	vst v13;
	v11 =	vadd.f32 v6, v11  }
0x12a: {  	v7 =	vld [tilespmem:s0+$0xA8C0];
	[tilespmem:s30+$0xB180] =	vst v12;
	v10 =	vadd.f32 v5, v10  }
0x12b: {  	v6 =	vld [tilespmem:s0+$0xA8D0];
	[tilespmem:s30+$0xB190] =	vst v11;
	v9 =	vadd.f32 v4, v9  }
0x12c: {  	v5 =	vld [tilespmem:s0+$0xA8E0];
	[tilespmem:s30+$0xB1A0] =	vst v10;
	v10 =	vadd.f32 v3, v15  }
0x12d: {  	v4 =	vld [tilespmem:s0+$0xA8F0];
	[tilespmem:s30+$0xB1B0] =	vst v9  }
0x12e: {  	v3 =	vld [tilespmem:s0+$0xA900];
	[tilespmem:s30+$0xB1C0] =	vst v10;
	s30 =	smov.u32 s0  }
0x12f: {  	v9 =	vld [tilespmem:s30+$0xB160]  }
.Ltmp25:
0x130: {  	v13 =	vld [tilespmem:s30+$0xB170];
	(pc) =	sbr.rel @p0 .LBB2_39-.Ltmp25, $4  }
0x131: {  	v12 =	vld [tilespmem:s30+$0xB180]  }
0x132: {  	v11 =	vld [tilespmem:s30+$0xB190]  }
0x133: {  	v10 =	vld [tilespmem:s30+$0xB1A0]  }
0x134: {  	s1 =	sadd.s32 $0x1C0, s1;
	v14 =	vadd.f32 v16, v9;
	v9 =	vld [tilespmem:s30+$0xB1B0]  }
0x135: {  	v8 =	vadd.f32 v8, v13;
	v63 =	vld [tilespmem:s30+$0xB1C0]  }
0x136: {  	s29 =	sadd.s32 $0x1, s29;
	[tilespmem:s30+$0xB160] =	vst v14;
	v7 =	vadd.f32 v7, v12  }
0x137: {  	p0 =	sne.s32 s29, $0x8;
	[tilespmem:s30+$0xB170] =	vst v8;
	v6 =	vadd.f32 v6, v11  }
.Ltmp26:
0x138: {  	[tilespmem:s30+$0xB180] =	vst v7;
	v5 =	vadd.f32 v5, v10;
	(pc) =	sbr.rel @p0 .LBB2_38-.Ltmp26, $4  }
0x139: {  	[tilespmem:s30+$0xB190] =	vst v6;
	v4 =	vadd.f32 v4, v9  }
0x13a: {  	[tilespmem:s30+$0xB1A0] =	vst v5;
	v3 =	vadd.f32 v3, v63  }
0x13b: {  	[tilespmem:s30+$0xB1B0] =	vst v4  }
0x13c: {  	[tilespmem:s30+$0xB1C0] =	vst v3  }
0x13d: {  	s0 =	sadd.s32 $0x0, s12  }
0x13e: {  	v3 =	vmov s0;
	_ =	sdelay $0x1  }
0x13f: {  	s1 =	simm.s32 $0xB190  }
0x140: {  	v4 =	vld [tilespmem:s1+$0xFFFFFFF0]  }
0x141: {  	v7 =	vld [tilespmem:s1+$0xFFFFFFD0]  }
0x142: {  	v3 =	vld.idx.msk [tilespmem:v3+s18+$0x0], $0xffff  }
0x143: {  	v8 =	vld [tilespmem:s1+$0x30]  }
0x144: {  	v9 =	vld [tilespmem:s1+$0x20]  }
0x145: {  	v5 =	vld [tilespmem:s1+$0x0]  }
0x146: {  	v6 =	vld [tilespmem:s1+$0xFFFFFFE0]  }
0x147: {  	v10 =	vmul.f32 v7, v3;
	v7 =	vld [tilespmem:s1+$0x10]  }
0x148: {  	v8 =	vmul.f32 v8, v3  }
0x149: {  	s29 =	simm.s32 $0x1;
	s0 =	simm.s32 $0xB190;
	v4 =	vmul.f32 v4, v3;
	v9 =	vmul.f32 v9, v3  }
.LBB2_42:
0x14a: {  	p0 =	sne.s32 s29, $0x13  }
0x14b: {  	[tilespmem:s1+$0xFFFFFFD0] =	vst v10;
	v6 =	vmul.f32 v6, v3;
	v5 =	vmul.f32 v5, v3;
	s0 =	sadd.s32 $0x70, s0;
	s5 =	smov.u32 s29;
	s29 =	sadd.s32 $0x1, s29  }
0x14c: {  	s5 =	sadd.s32 s5, s12;
	v3 =	vmul.f32 v7, v3;
	[tilespmem:s1+$0x30] =	vst v8  }
0x14d: {  	v7 =	vmov s5;
	[tilespmem:s1+$0x20] =	vst v9  }
0x14e: {  	[tilespmem:s1+$0x0] =	vst v5  }
0x14f: {  	v9 =	vld [tilespmem:s0+$0xFFFFFFF0];
	[tilespmem:s1+$0x10] =	vst v3  }
0x150: {  	v8 =	vld [tilespmem:s0+$0xFFFFFFD0];
	[tilespmem:s1+$0xFFFFFFF0] =	vst v4  }
0x151: {  	v5 =	vld [tilespmem:s0+$0x0];
	[tilespmem:s1+$0xFFFFFFE0] =	vst v6;
	s1 =	smov.u32 s0  }
0x152: {  	v3 =	vld.idx.msk [tilespmem:v7+s18+$0x0], $0xffff  }
0x153: {  	v4 =	vld [tilespmem:s0+$0x30]  }
0x154: {  	v11 =	vld [tilespmem:s0+$0x20]  }
.Ltmp27:
0x155: {  	v6 =	vld [tilespmem:s0+$0xFFFFFFE0];
	(pc) =	sbr.rel @p0 .LBB2_42-.Ltmp27, $3  }
0x156: {  	v7 =	vld [tilespmem:s0+$0x10];
	_ =	sdelay $0x1  }
0x157: {  	v10 =	vmul.f32 v8, v3;
	v8 =	vmul.f32 v4, v3  }
0x158: {  	v4 =	vmul.f32 v9, v3;
	v9 =	vmul.f32 v11, v3  }
0x159: {  	[tilespmem:s1+$0xFFFFFFD0] =	vst v10  }
0x15a: {  	[tilespmem:s1+$0x30] =	vst v8  }
0x15b: {  	v5 =	vmul.f32 v5, v3;
	[tilespmem:s1+$0x20] =	vst v9  }
0x15c: {  	v7 =	vmul.f32 v7, v3;
	[tilespmem:s1+$0xFFFFFFF0] =	vst v4  }
0x15d: {  	v3 =	vmul.f32 v6, v3;
	[tilespmem:s1+$0x0] =	vst v5  }
0x15e: {  	s28 =	sadd.s32 $0x1, s28;
	[tilespmem:s1+$0x10] =	vst v7  }
0x15f: {  	s0 =	simm.s32 $0xB160;
	p0 =	sne.s32 s28, s15;
	[tilespmem:s1+$0xFFFFFFE0] =	vst v3  }
0x160: {  	[hbm4b:s14+s2] =	stream.linear.scatter [tilespmem:s0], [sflag:$0x3], $0x8C0, $0x38;
	[tilespmem:$0x10020] =	vst v63  }
.Ltmp28:
0x161: {  	_ = 	snop;
	(pc) =	sbr.rel @p0 .LBB2_1-.Ltmp28, $4  }
.Ltmp29:
0x162: {  	_ = 	snop;
	(pc) =	sbr.rel @!p0 .LBB2_44-.Ltmp29, $4  }
0x163: {  	_ =	swait.ge [sflag:s17], $0x8C0  }
0x164: {  	[sflag:s17] =	ssyncset.done $0x0  }
0x165: {  	[sflag:s17] =	ssyncadd.s32 $0xFFFFF740  }
0x166: {  	_ = 	snop  }
.LBB2_7:
.Ltmp30:
0x167: {  	(pc) =	sbr.rel .LBB2_11-.Ltmp30, $2  }
0x168: {  	_ =	sdelay $0x2  }
0x169: {  	s0 =	simm.s32 $0x4A00;
	s5 =	simm.s32 $0x5600  }
.LBB2_30:
.Ltmp31:
0x16a: {  	(pc) =	sbr.rel .LBB2_34-.Ltmp31, $2  }
0x16b: {  	_ =	sdelay $0x2  }
0x16c: {  	s16 =	simm.s32 $0x3E00  }
.LBB2_9:
.Ltmp32:
0x16d: {  	(pc) =	sbr.rel .LBB2_11-.Ltmp32, $2  }
0x16e: {  	_ =	sdelay $0x2  }
0x16f: {  	s0 =	simm.s32 $0x4A00;
	s5 =	simm.s32 $0x5600  }
.LBB2_32:
.Ltmp33:
0x170: {  	(pc) =	sbr.rel .LBB2_34-.Ltmp33, $2  }
0x171: {  	_ =	sdelay $0x2  }
0x172: {  	s16 =	simm.s32 $0x3E00  }
.LBB2_44:
0x173: {  	_ =	sfence.sel $0x180000  }
0x174: {  	[bflag:$0x0] =	sbarrier.arrive $0xFFFF  }
0x175: {  	_ =	strace $0x9000004A  }
0x176: {  	s0 =	stileid.u32;
	[bflag:$0x2] =	sbarrier.arrive $0xFFFF  }
0x177: {  	p0 =	sne.s32 s0, $0x0;
	s0 =	rddreg [dreg:$0x4]  }
0x178: {  	s0 =	sadd.s32 @!p0 $0x100000, s0  }
0x179: {  	[sflag:s0] =	ssyncadd.tile.s32 @!p0 $0x1;
	_ =	shalt  }
.Lfunc_end2:
_tile_overlayer_lowered:
.L_overlay_start_2:
0x17a: {  	(tag) =	ssettag $0x2  }
0x17b: {  	s0 =	rddreg [dreg:$0x0];
	s2 =	stileid.u32  }
0x17c: {  	s1 =	rddreg [dreg:$0x1];
	p0 =	sne.s32 s2, $0x0  }
0x17d: {  	s3 =	rddreg [dreg:$0x2];
	[bflag:$0x3] =	sbarrier.arrive $0xFFFF;
	s2 =	simm.s32 @!p0 $0x1C03  }
0x17e: {  	[timem:s3], [sflag:s2] =	dma.local @!p0 [hbm:s0], s1  }
0x17f: {  	s0 =	simm.s32 @!p0 $0x3  }
0x180: {  	_ =	swait.ge @!p0 [sflag:s0], s1  }
0x181: {  	s1 =	ssub.s32 @!p0 $0x0, s1;
	[sflag:s0] =	ssyncset.done @!p0 $0x0  }
0x182: {  	[sflag:s0] =	ssyncadd.s32 @!p0 s1  }
0x183: {  	[bflag:$0x3] =	sbarrier.arrive $0xFFFF  }
0x184: {  	_ =	shalt  }

</sc_bundles>
